<compile_context>
chip_gen: v7x
topology: tpu7x:2x2x1
jax: 0.10.2.dev20260603
libtpu: 0.0.44.dev20260713+nightly
codegen_flags: <defaults>
</compile_context>

<pallas_src>
import functools

import jax
import jax.numpy as jnp
from jax import lax
from jax.experimental import pallas as pl
from jax.experimental.pallas import tpu as pltpu
from jax.experimental.pallas import tpu_sc as plsc

B = 16384
Z_DIM = 64
NC = 2
NS = 16
NW = NC * NS
BPW = B // NW
CHUNK = 128
NCHUNK = BPW // CHUNK
L = 16


@functools.partial(
    pl.kernel,
    mesh=plsc.VectorSubcoreMesh(core_axis_name="c", subcore_axis_name="s"),
    out_type=(
        jax.ShapeDtypeStruct((B, Z_DIM), jnp.float32),
        jax.ShapeDtypeStruct((B,), jnp.float32),
        jax.ShapeDtypeStruct((B,), jnp.float32),
    ),
    scratch_types=[
        pltpu.VMEM((BPW,), jnp.int32),
        pltpu.VMEM((BPW, Z_DIM), jnp.float32),
        pltpu.VMEM((BPW,), jnp.float32),
        pltpu.VMEM((BPW,), jnp.float32),
        pltpu.SemaphoreType.DMA,
        pltpu.SemaphoreType.DMA,
    ],
    compiler_params=pltpu.CompilerParams(use_tc_tiling_on_sc=True),
)
def _sc_gather(idx_hbm, emb_hbm, inh_hbm, det_hbm,
               z_out, inh_out, det_out,
               idx_v, z_v, inh_v, det_v, sem, row_sem):
    wid = lax.axis_index("s") * NC + lax.axis_index("c")
    base = wid * BPW
    pltpu.sync_copy(idx_hbm.at[pl.ds(base, BPW)], idx_v)
    copies = []
    for c in range(NCHUNK):
        sl = pl.ds(c * CHUNK, CHUNK)
        copies.append(pltpu.async_copy(inh_hbm.at[idx_v.at[sl]], inh_v.at[sl], sem))
        copies.append(pltpu.async_copy(det_hbm.at[idx_v.at[sl]], det_v.at[sl], sem))

    def body(g, carry):
        vec = idx_v[pl.ds(g * L, L)]
        for t in range(L):
            j = g * L + t
            pltpu.async_copy(
                emb_hbm.at[pl.ds(vec[t], 1)], z_v.at[pl.ds(j, 1)], row_sem)
        return carry

    lax.fori_loop(0, BPW // L, body, 0)
    pltpu.make_async_copy(emb_hbm.at[pl.ds(0, BPW)], z_v, row_sem).wait()
    for cp in copies:
        cp.wait()
    pltpu.sync_copy(z_v, z_out.at[pl.ds(base, BPW)])
    pltpu.sync_copy(inh_v, inh_out.at[pl.ds(base, BPW)])
    pltpu.sync_copy(det_v, det_out.at[pl.ds(base, BPW)])


def kernel(piano_model, emb_w, inharm_w, detune_w):
    idx = piano_model.astype(jnp.int32)
    z, inh, det = _sc_gather(idx, emb_w,
                             inharm_w.reshape(-1), detune_w.reshape(-1))
    return (z[:, None, :],
            inh.reshape(B, 1, 1),
            det.reshape(B, 1, 1))

# --- scband reference (transcript-rebuilt; emitter-appended) ---
"""Pipeline reference for scband-one-hot-zencoder-74165495267406 (READ-ONLY COPY).

The authoritative reference and input builder live on the scoring server;
editing this copy changes nothing except your own understanding.
"""

import jax, jax.numpy as jnp
import numpy as np

N_INSTRUMENTS = 100000
Z_DIM = 64
N_INHARM = 1
N_DETUNE = 1
BATCH = 16384

def setup_inputs(seed: int = 0) -> dict:
    key = jax.random.key(seed)
    k_idx, k_emb, k_inh, k_det = jax.random.split(key, 4)
    piano_model = jax.random.randint(k_idx, (BATCH,), 0, N_INSTRUMENTS, dtype=jnp.int64 if jax.config.jax_enable_x64 else jnp.int32)
    emb_w = jax.random.normal(k_emb, (N_INSTRUMENTS, Z_DIM), dtype=jnp.float32)
    inharm_w = jax.random.normal(k_inh, (N_INSTRUMENTS, N_INHARM), dtype=jnp.float32)
    detune_w = jax.random.normal(k_det, (N_INSTRUMENTS, N_DETUNE), dtype=jnp.float32)
    return {"piano_model": piano_model, "emb_w": emb_w, "inharm_w": inharm_w, "detune_w": detune_w}

def reference(piano_model, emb_w, inharm_w, detune_w):
    # n_instruments > 1, so no zeroing of indices; duration=None -> n_frames == 1 -> no resample
    z = jnp.take(emb_w, piano_model, axis=0)[:, None, :]        # [B, 1, z_dim]
    inharm = jnp.take(inharm_w, piano_model, axis=0)[:, None, :]  # [B, 1, n_inharm]
    detune = jnp.take(detune_w, piano_model, axis=0)[:, None, :]  # [B, 1, n_detune]
    return (z, inharm, detune)

if __name__ == "__main__":
    import jax
    _d = setup_inputs()
    print(jax.jit(kernel)(*tuple(_d.values())))

</pallas_src>

<mosaic_0001>
#map = affine_map<(d0, d1) -> (0)>
#map1 = affine_map<(d0, d1) -> (0, 0)>
module attributes {stable_mosaic.version = 14 : i64} {
  func.func @_sc_gather(%arg0: i32, %arg1: i32, %arg2: memref<16384xi32, #tpu.memory_space<hbm>>, %arg3: memref<100000x64xf32, #tpu.memory_space<hbm>>, %arg4: memref<100000xf32, #tpu.memory_space<hbm>>, %arg5: memref<100000xf32, #tpu.memory_space<hbm>>, %arg6: memref<16384x64xf32, #tpu.memory_space<hbm>>, %arg7: memref<16384xf32, #tpu.memory_space<hbm>>, %arg8: memref<16384xf32, #tpu.memory_space<hbm>>, %arg9: memref<512xi32, #tpu.memory_space<vmem>>, %arg10: memref<512x64xf32, #tpu.memory_space<vmem>>, %arg11: memref<512xf32, #tpu.memory_space<vmem>>, %arg12: memref<512xf32, #tpu.memory_space<vmem>>, %arg13: memref<!tpu.dma_semaphore, #tpu.memory_space<semaphore_mem>>, %arg14: memref<!tpu.dma_semaphore, #tpu.memory_space<semaphore_mem>>) attributes {dimension_semantics = [#tpu.dimension_semantics<core_parallel>, #tpu.dimension_semantics<subcore_parallel>], iteration_bounds = array<i64: 2, 16>, scalar_prefetch = 0 : i64, scratch_operands = 6 : i64, tpu.core_type = #tpu.core_type<sc_vector_subcore>, window_params = [{transform_indices = #map}, {transform_indices = #map1}, {transform_indices = #map}, {transform_indices = #map}, {transform_indices = #map1}, {transform_indices = #map}, {transform_indices = #map}]} {
    %mul3A = arith.constant 2 : i32
    %mul3A_0 = arith.muli %arg1, %mul3A : i32
    %add3A = arith.addi %mul3A_0, %arg0 : i32
    %mul3A_1 = arith.constant 512 : i32
    %mul3A_2 = arith.muli %add3A, %mul3A_1 : i32
    "tpu.region"() ({
      %run_scoped3A = tpu.sem_alloc : memref<!tpu.dma_semaphore, #tpu.memory_space<semaphore_mem>>
      %dma_start3A_108 = tpu.memref_slice %arg2[%mul3A_2] : memref<16384xi32, #tpu.memory_space<hbm>> -> memref<512xi32, #tpu.memory_space<hbm>>
      %dma_start3A_109 = tpu.memref_slice %arg2[%mul3A_2] : memref<16384xi32, #tpu.memory_space<hbm>> -> memref<512xi32, #tpu.memory_space<hbm>>
      tpu.enqueue_dma source(%dma_start3A_109 : memref<512xi32, #tpu.memory_space<hbm>>) target(%arg9 : memref<512xi32, #tpu.memory_space<vmem>>) target_semaphore(%run_scoped3A : memref<!tpu.dma_semaphore, #tpu.memory_space<semaphore_mem>>)
      %dma_wait3A_110 = tpu.memref_slice %arg2[%mul3A_2] : memref<16384xi32, #tpu.memory_space<hbm>> -> memref<512xi32, #tpu.memory_space<hbm>>
      %dma_wait3A_111 = tpu.memref_slice %arg2[%mul3A_2] : memref<16384xi32, #tpu.memory_space<hbm>> -> memref<512xi32, #tpu.memory_space<hbm>>
      tpu.wait_dma2 semaphore(%run_scoped3A : memref<!tpu.dma_semaphore, #tpu.memory_space<semaphore_mem>>) src(%dma_wait3A_111 : memref<512xi32, #tpu.memory_space<hbm>>) dst(%arg9 : memref<512xi32, #tpu.memory_space<vmem>>)
      tpu.yield
    }) : () -> ()
    %dma_start3A = arith.constant 0 : i32
    %dma_start3A_3 = tpu.memref_slice %arg11[%dma_start3A] : memref<512xf32, #tpu.memory_space<vmem>> -> memref<128xf32, #tpu.memory_space<vmem>>
    %dma_start3A_4 = arith.constant 0 : i32
    %dma_start3A_5 = tpu.memref_slice %arg9[%dma_start3A_4] : memref<512xi32, #tpu.memory_space<vmem>> -> memref<128xi32, #tpu.memory_space<vmem>>
    %dma_start3A_6 = arith.constant 0 : i32
    %dma_start3A_7 = tpu.memref_slice %arg4[%dma_start3A_6] : memref<100000xf32, #tpu.memory_space<hbm>> -> memref<100000xf32, #tpu.memory_space<hbm>>
    tpu.enqueue_indirect_dma source(%dma_start3A_7 : memref<100000xf32, #tpu.memory_space<hbm>>) target(%dma_start3A_3 : memref<128xf32, #tpu.memory_space<vmem>>) offsets(%dma_start3A_5 : memref<128xi32, #tpu.memory_space<vmem>>) semaphore(%arg13 : memref<!tpu.dma_semaphore, #tpu.memory_space<semaphore_mem>>)
    %dma_start3A_8 = arith.constant 0 : i32
    %dma_start3A_9 = tpu.memref_slice %arg12[%dma_start3A_8] : memref<512xf32, #tpu.memory_space<vmem>> -> memref<128xf32, #tpu.memory_space<vmem>>
    %dma_start3A_10 = arith.constant 0 : i32
    %dma_start3A_11 = tpu.memref_slice %arg9[%dma_start3A_10] : memref<512xi32, #tpu.memory_space<vmem>> -> memref<128xi32, #tpu.memory_space<vmem>>
    %dma_start3A_12 = arith.constant 0 : i32
    %dma_start3A_13 = tpu.memref_slice %arg5[%dma_start3A_12] : memref<100000xf32, #tpu.memory_space<hbm>> -> memref<100000xf32, #tpu.memory_space<hbm>>
    tpu.enqueue_indirect_dma source(%dma_start3A_13 : memref<100000xf32, #tpu.memory_space<hbm>>) target(%dma_start3A_9 : memref<128xf32, #tpu.memory_space<vmem>>) offsets(%dma_start3A_11 : memref<128xi32, #tpu.memory_space<vmem>>) semaphore(%arg13 : memref<!tpu.dma_semaphore, #tpu.memory_space<semaphore_mem>>)
    %dma_start3A_14 = arith.constant 128 : i32
    %dma_start3A_15 = tpu.memref_slice %arg11[%dma_start3A_14] : memref<512xf32, #tpu.memory_space<vmem>> -> memref<128xf32, #tpu.memory_space<vmem>>
    %dma_start3A_16 = arith.constant 128 : i32
    %dma_start3A_17 = tpu.memref_slice %arg9[%dma_start3A_16] : memref<512xi32, #tpu.memory_space<vmem>> -> memref<128xi32, #tpu.memory_space<vmem>>
    %dma_start3A_18 = arith.constant 0 : i32
    %dma_start3A_19 = tpu.memref_slice %arg4[%dma_start3A_18] : memref<100000xf32, #tpu.memory_space<hbm>> -> memref<100000xf32, #tpu.memory_space<hbm>>
    tpu.enqueue_indirect_dma source(%dma_start3A_19 : memref<100000xf32, #tpu.memory_space<hbm>>) target(%dma_start3A_15 : memref<128xf32, #tpu.memory_space<vmem>>) offsets(%dma_start3A_17 : memref<128xi32, #tpu.memory_space<vmem>>) semaphore(%arg13 : memref<!tpu.dma_semaphore, #tpu.memory_space<semaphore_mem>>)
    %dma_start3A_20 = arith.constant 128 : i32
    %dma_start3A_21 = tpu.memref_slice %arg12[%dma_start3A_20] : memref<512xf32, #tpu.memory_space<vmem>> -> memref<128xf32, #tpu.memory_space<vmem>>
    %dma_start3A_22 = arith.constant 128 : i32
    %dma_start3A_23 = tpu.memref_slice %arg9[%dma_start3A_22] : memref<512xi32, #tpu.memory_space<vmem>> -> memref<128xi32, #tpu.memory_space<vmem>>
    %dma_start3A_24 = arith.constant 0 : i32
    %dma_start3A_25 = tpu.memref_slice %arg5[%dma_start3A_24] : memref<100000xf32, #tpu.memory_space<hbm>> -> memref<100000xf32, #tpu.memory_space<hbm>>
    tpu.enqueue_indirect_dma source(%dma_start3A_25 : memref<100000xf32, #tpu.memory_space<hbm>>) target(%dma_start3A_21 : memref<128xf32, #tpu.memory_space<vmem>>) offsets(%dma_start3A_23 : memref<128xi32, #tpu.memory_space<vmem>>) semaphore(%arg13 : memref<!tpu.dma_semaphore, #tpu.memory_space<semaphore_mem>>)
    %dma_start3A_26 = arith.constant 256 : i32
    %dma_start3A_27 = tpu.memref_slice %arg11[%dma_start3A_26] : memref<512xf32, #tpu.memory_space<vmem>> -> memref<128xf32, #tpu.memory_space<vmem>>
    %dma_start3A_28 = arith.constant 256 : i32
    %dma_start3A_29 = tpu.memref_slice %arg9[%dma_start3A_28] : memref<512xi32, #tpu.memory_space<vmem>> -> memref<128xi32, #tpu.memory_space<vmem>>
    %dma_start3A_30 = arith.constant 0 : i32
    %dma_start3A_31 = tpu.memref_slice %arg4[%dma_start3A_30] : memref<100000xf32, #tpu.memory_space<hbm>> -> memref<100000xf32, #tpu.memory_space<hbm>>
    tpu.enqueue_indirect_dma source(%dma_start3A_31 : memref<100000xf32, #tpu.memory_space<hbm>>) target(%dma_start3A_27 : memref<128xf32, #tpu.memory_space<vmem>>) offsets(%dma_start3A_29 : memref<128xi32, #tpu.memory_space<vmem>>) semaphore(%arg13 : memref<!tpu.dma_semaphore, #tpu.memory_space<semaphore_mem>>)
    %dma_start3A_32 = arith.constant 256 : i32
    %dma_start3A_33 = tpu.memref_slice %arg12[%dma_start3A_32] : memref<512xf32, #tpu.memory_space<vmem>> -> memref<128xf32, #tpu.memory_space<vmem>>
    %dma_start3A_34 = arith.constant 256 : i32
    %dma_start3A_35 = tpu.memref_slice %arg9[%dma_start3A_34] : memref<512xi32, #tpu.memory_space<vmem>> -> memref<128xi32, #tpu.memory_space<vmem>>
    %dma_start3A_36 = arith.constant 0 : i32
    %dma_start3A_37 = tpu.memref_slice %arg5[%dma_start3A_36] : memref<100000xf32, #tpu.memory_space<hbm>> -> memref<100000xf32, #tpu.memory_space<hbm>>
    tpu.enqueue_indirect_dma source(%dma_start3A_37 : memref<100000xf32, #tpu.memory_space<hbm>>) target(%dma_start3A_33 : memref<128xf32, #tpu.memory_space<vmem>>) offsets(%dma_start3A_35 : memref<128xi32, #tpu.memory_space<vmem>>) semaphore(%arg13 : memref<!tpu.dma_semaphore, #tpu.memory_space<semaphore_mem>>)
    %dma_start3A_38 = arith.constant 384 : i32
    %dma_start3A_39 = tpu.memref_slice %arg11[%dma_start3A_38] : memref<512xf32, #tpu.memory_space<vmem>> -> memref<128xf32, #tpu.memory_space<vmem>>
    %dma_start3A_40 = arith.constant 384 : i32
    %dma_start3A_41 = tpu.memref_slice %arg9[%dma_start3A_40] : memref<512xi32, #tpu.memory_space<vmem>> -> memref<128xi32, #tpu.memory_space<vmem>>
    %dma_start3A_42 = arith.constant 0 : i32
    %dma_start3A_43 = tpu.memref_slice %arg4[%dma_start3A_42] : memref<100000xf32, #tpu.memory_space<hbm>> -> memref<100000xf32, #tpu.memory_space<hbm>>
    tpu.enqueue_indirect_dma source(%dma_start3A_43 : memref<100000xf32, #tpu.memory_space<hbm>>) target(%dma_start3A_39 : memref<128xf32, #tpu.memory_space<vmem>>) offsets(%dma_start3A_41 : memref<128xi32, #tpu.memory_space<vmem>>) semaphore(%arg13 : memref<!tpu.dma_semaphore, #tpu.memory_space<semaphore_mem>>)
    %dma_start3A_44 = arith.constant 384 : i32
    %dma_start3A_45 = tpu.memref_slice %arg12[%dma_start3A_44] : memref<512xf32, #tpu.memory_space<vmem>> -> memref<128xf32, #tpu.memory_space<vmem>>
    %dma_start3A_46 = arith.constant 384 : i32
    %dma_start3A_47 = tpu.memref_slice %arg9[%dma_start3A_46] : memref<512xi32, #tpu.memory_space<vmem>> -> memref<128xi32, #tpu.memory_space<vmem>>
    %dma_start3A_48 = arith.constant 0 : i32
    %dma_start3A_49 = tpu.memref_slice %arg5[%dma_start3A_48] : memref<100000xf32, #tpu.memory_space<hbm>> -> memref<100000xf32, #tpu.memory_space<hbm>>
    tpu.enqueue_indirect_dma source(%dma_start3A_49 : memref<100000xf32, #tpu.memory_space<hbm>>) target(%dma_start3A_45 : memref<128xf32, #tpu.memory_space<vmem>>) offsets(%dma_start3A_47 : memref<128xi32, #tpu.memory_space<vmem>>) semaphore(%arg13 : memref<!tpu.dma_semaphore, #tpu.memory_space<semaphore_mem>>)
    %scan3A = arith.constant 0 : i32
    %scan3A_50 = arith.constant 0 : i32
    %scan3A_51 = arith.constant 32 : i32
    %scan3A_52 = arith.addi %scan3A_50, %scan3A_51 : i32
    %scan3A_53 = arith.constant 1 : i32
    scf.for %scan3A_108 = %scan3A_50 to %scan3A_52 step %scan3A_53  : i32 {
      %mul3A_109 = arith.constant 16 : i32
      %mul3A_110 = arith.muli %scan3A_108, %mul3A_109 : i32
      %get3A = arith.index_cast %mul3A_110 : i32 to index
      %get3A_111 = tpu.vector_load %arg9[%get3A] {strides = array<i32>} : memref<512xi32, #tpu.memory_space<vmem>>, vector<16xi32>,
      %get3A_112 = vector.shape_cast %get3A_111 : vector<16xi32> to vector<16xi32>
      %mul3A_113 = arith.constant 16 : i32
      %mul3A_114 = arith.muli %scan3A_108, %mul3A_113 : i32
      %add3A_115 = arith.constant 0 : i32
      %add3A_116 = arith.addi %mul3A_114, %add3A_115 : i32
      %slice3A = vector.extract_strided_slice %get3A_112 {offsets = [0], sizes = [1], strides = [1]} : vector<16xi32> to vector<1xi32>
      %squeeze3A = vector.extract %slice3A[0] : i32 from vector<1xi32>
      %dma_start3A_117 = arith.constant 0 : i32
      %dma_start3A_118 = tpu.memref_slice %arg10[%add3A_116, %dma_start3A_117] : memref<512x64xf32, #tpu.memory_space<vmem>> -> memref<1x64xf32, #tpu.memory_space<vmem>>
      %dma_start3A_119 = arith.constant 0 : i32
      %dma_start3A_120 = tpu.memref_slice %arg3[%squeeze3A, %dma_start3A_119] : memref<100000x64xf32, #tpu.memory_space<hbm>> -> memref<1x64xf32, #tpu.memory_space<hbm>>
      %dma_start3A_121 = arith.constant 0 : i32
      %dma_start3A_122 = tpu.memref_slice %arg10[%add3A_116, %dma_start3A_121] : memref<512x64xf32, #tpu.memory_space<vmem>> -> memref<1x64xf32, #tpu.memory_space<vmem>>
      %dma_start3A_123 = arith.constant 0 : i32
      %dma_start3A_124 = tpu.memref_slice %arg3[%squeeze3A, %dma_start3A_123] : memref<100000x64xf32, #tpu.memory_space<hbm>> -> memref<1x64xf32, #tpu.memory_space<hbm>>
      tpu.enqueue_dma source(%dma_start3A_124 : memref<1x64xf32, #tpu.memory_space<hbm>>) target(%dma_start3A_122 : memref<1x64xf32, #tpu.memory_space<vmem>>) target_semaphore(%arg14 : memref<!tpu.dma_semaphore, #tpu.memory_space<semaphore_mem>>)
      %mul3A_125 = arith.constant 16 : i32
      %mul3A_126 = arith.muli %scan3A_108, %mul3A_125 : i32
      %add3A_127 = arith.constant 1 : i32
      %add3A_128 = arith.addi %mul3A_126, %add3A_127 : i32
      %slice3A_129 = vector.extract_strided_slice %get3A_112 {offsets = [1], sizes = [1], strides = [1]} : vector<16xi32> to vector<1xi32>
      %squeeze3A_130 = vector.extract %slice3A_129[0] : i32 from vector<1xi32>
      %dma_start3A_131 = arith.constant 0 : i32
      %dma_start3A_132 = tpu.memref_slice %arg10[%add3A_128, %dma_start3A_131] : memref<512x64xf32, #tpu.memory_space<vmem>> -> memref<1x64xf32, #tpu.memory_space<vmem>>
      %dma_start3A_133 = arith.constant 0 : i32
      %dma_start3A_134 = tpu.memref_slice %arg3[%squeeze3A_130, %dma_start3A_133] : memref<100000x64xf32, #tpu.memory_space<hbm>> -> memref<1x64xf32, #tpu.memory_space<hbm>>
      %dma_start3A_135 = arith.constant 0 : i32
      %dma_start3A_136 = tpu.memref_slice %arg10[%add3A_128, %dma_start3A_135] : memref<512x64xf32, #tpu.memory_space<vmem>> -> memref<1x64xf32, #tpu.memory_space<vmem>>
      %dma_start3A_137 = arith.constant 0 : i32
      %dma_start3A_138 = tpu.memref_slice %arg3[%squeeze3A_130, %dma_start3A_137] : memref<100000x64xf32, #tpu.memory_space<hbm>> -> memref<1x64xf32, #tpu.memory_space<hbm>>
      tpu.enqueue_dma source(%dma_start3A_138 : memref<1x64xf32, #tpu.memory_space<hbm>>) target(%dma_start3A_136 : memref<1x64xf32, #tpu.memory_space<vmem>>) target_semaphore(%arg14 : memref<!tpu.dma_semaphore, #tpu.memory_space<semaphore_mem>>)
      %mul3A_139 = arith.constant 16 : i32
      %mul3A_140 = arith.muli %scan3A_108, %mul3A_139 : i32
      %add3A_141 = arith.constant 2 : i32
      %add3A_142 = arith.addi %mul3A_140, %add3A_141 : i32
      %slice3A_143 = vector.extract_strided_slice %get3A_112 {offsets = [2], sizes = [1], strides = [1]} : vector<16xi32> to vector<1xi32>
      %squeeze3A_144 = vector.extract %slice3A_143[0] : i32 from vector<1xi32>
      %dma_start3A_145 = arith.constant 0 : i32
      %dma_start3A_146 = tpu.memref_slice %arg10[%add3A_142, %dma_start3A_145] : memref<512x64xf32, #tpu.memory_space<vmem>> -> memref<1x64xf32, #tpu.memory_space<vmem>>
      %dma_start3A_147 = arith.constant 0 : i32
      %dma_start3A_148 = tpu.memref_slice %arg3[%squeeze3A_144, %dma_start3A_147] : memref<100000x64xf32, #tpu.memory_space<hbm>> -> memref<1x64xf32, #tpu.memory_space<hbm>>
      %dma_start3A_149 = arith.constant 0 : i32
      %dma_start3A_150 = tpu.memref_slice %arg10[%add3A_142, %dma_start3A_149] : memref<512x64xf32, #tpu.memory_space<vmem>> -> memref<1x64xf32, #tpu.memory_space<vmem>>
      %dma_start3A_151 = arith.constant 0 : i32
      %dma_start3A_152 = tpu.memref_slice %arg3[%squeeze3A_144, %dma_start3A_151] : memref<100000x64xf32, #tpu.memory_space<hbm>> -> memref<1x64xf32, #tpu.memory_space<hbm>>
      tpu.enqueue_dma source(%dma_start3A_152 : memref<1x64xf32, #tpu.memory_space<hbm>>) target(%dma_start3A_150 : memref<1x64xf32, #tpu.memory_space<vmem>>) target_semaphore(%arg14 : memref<!tpu.dma_semaphore, #tpu.memory_space<semaphore_mem>>)
      %mul3A_153 = arith.constant 16 : i32
      %mul3A_154 = arith.muli %scan3A_108, %mul3A_153 : i32
      %add3A_155 = arith.constant 3 : i32
      %add3A_156 = arith.addi %mul3A_154, %add3A_155 : i32
      %slice3A_157 = vector.extract_strided_slice %get3A_112 {offsets = [3], sizes = [1], strides = [1]} : vector<16xi32> to vector<1xi32>
      %squeeze3A_158 = vector.extract %slice3A_157[0] : i32 from vector<1xi32>
      %dma_start3A_159 = arith.constant 0 : i32
      %dma_start3A_160 = tpu.memref_slice %arg10[%add3A_156, %dma_start3A_159] : memref<512x64xf32, #tpu.memory_space<vmem>> -> memref<1x64xf32, #tpu.memory_space<vmem>>
      %dma_start3A_161 = arith.constant 0 : i32
      %dma_start3A_162 = tpu.memref_slice %arg3[%squeeze3A_158, %dma_start3A_161] : memref<100000x64xf32, #tpu.memory_space<hbm>> -> memref<1x64xf32, #tpu.memory_space<hbm>>
      %dma_start3A_163 = arith.constant 0 : i32
      %dma_start3A_164 = tpu.memref_slice %arg10[%add3A_156, %dma_start3A_163] : memref<512x64xf32, #tpu.memory_space<vmem>> -> memref<1x64xf32, #tpu.memory_space<vmem>>
      %dma_start3A_165 = arith.constant 0 : i32
      %dma_start3A_166 = tpu.memref_slice %arg3[%squeeze3A_158, %dma_start3A_165] : memref<100000x64xf32, #tpu.memory_space<hbm>> -> memref<1x64xf32, #tpu.memory_space<hbm>>
      tpu.enqueue_dma source(%dma_start3A_166 : memref<1x64xf32, #tpu.memory_space<hbm>>) target(%dma_start3A_164 : memref<1x64xf32, #tpu.memory_space<vmem>>) target_semaphore(%arg14 : memref<!tpu.dma_semaphore, #tpu.memory_space<semaphore_mem>>)
      %mul3A_167 = arith.constant 16 : i32
      %mul3A_168 = arith.muli %scan3A_108, %mul3A_167 : i32
      %add3A_169 = arith.constant 4 : i32
      %add3A_170 = arith.addi %mul3A_168, %add3A_169 : i32
      %slice3A_171 = vector.extract_strided_slice %get3A_112 {offsets = [4], sizes = [1], strides = [1]} : vector<16xi32> to vector<1xi32>
      %squeeze3A_172 = vector.extract %slice3A_171[0] : i32 from vector<1xi32>
      %dma_start3A_173 = arith.constant 0 : i32
      %dma_start3A_174 = tpu.memref_slice %arg10[%add3A_170, %dma_start3A_173] : memref<512x64xf32, #tpu.memory_space<vmem>> -> memref<1x64xf32, #tpu.memory_space<vmem>>
      %dma_start3A_175 = arith.constant 0 : i32
      %dma_start3A_176 = tpu.memref_slice %arg3[%squeeze3A_172, %dma_start3A_175] : memref<100000x64xf32, #tpu.memory_space<hbm>> -> memref<1x64xf32, #tpu.memory_space<hbm>>
      %dma_start3A_177 = arith.constant 0 : i32
      %dma_start3A_178 = tpu.memref_slice %arg10[%add3A_170, %dma_start3A_177] : memref<512x64xf32, #tpu.memory_space<vmem>> -> memref<1x64xf32, #tpu.memory_space<vmem>>
      %dma_start3A_179 = arith.constant 0 : i32
      %dma_start3A_180 = tpu.memref_slice %arg3[%squeeze3A_172, %dma_start3A_179] : memref<100000x64xf32, #tpu.memory_space<hbm>> -> memref<1x64xf32, #tpu.memory_space<hbm>>
      tpu.enqueue_dma source(%dma_start3A_180 : memref<1x64xf32, #tpu.memory_space<hbm>>) target(%dma_start3A_178 : memref<1x64xf32, #tpu.memory_space<vmem>>) target_semaphore(%arg14 : memref<!tpu.dma_semaphore, #tpu.memory_space<semaphore_mem>>)
      %mul3A_181 = arith.constant 16 : i32
      %mul3A_182 = arith.muli %scan3A_108, %mul3A_181 : i32
      %add3A_183 = arith.constant 5 : i32
      %add3A_184 = arith.addi %mul3A_182, %add3A_183 : i32
      %slice3A_185 = vector.extract_strided_slice %get3A_112 {offsets = [5], sizes = [1], strides = [1]} : vector<16xi32> to vector<1xi32>
      %squeeze3A_186 = vector.extract %slice3A_185[0] : i32 from vector<1xi32>
      %dma_start3A_187 = arith.constant 0 : i32
      %dma_start3A_188 = tpu.memref_slice %arg10[%add3A_184, %dma_start3A_187] : memref<512x64xf32, #tpu.memory_space<vmem>> -> memref<1x64xf32, #tpu.memory_space<vmem>>
      %dma_start3A_189 = arith.constant 0 : i32
      %dma_start3A_190 = tpu.memref_slice %arg3[%squeeze3A_186, %dma_start3A_189] : memref<100000x64xf32, #tpu.memory_space<hbm>> -> memref<1x64xf32, #tpu.memory_space<hbm>>
      %dma_start3A_191 = arith.constant 0 : i32
      %dma_start3A_192 = tpu.memref_slice %arg10[%add3A_184, %dma_start3A_191] : memref<512x64xf32, #tpu.memory_space<vmem>> -> memref<1x64xf32, #tpu.memory_space<vmem>>
      %dma_start3A_193 = arith.constant 0 : i32
      %dma_start3A_194 = tpu.memref_slice %arg3[%squeeze3A_186, %dma_start3A_193] : memref<100000x64xf32, #tpu.memory_space<hbm>> -> memref<1x64xf32, #tpu.memory_space<hbm>>
      tpu.enqueue_dma source(%dma_start3A_194 : memref<1x64xf32, #tpu.memory_space<hbm>>) target(%dma_start3A_192 : memref<1x64xf32, #tpu.memory_space<vmem>>) target_semaphore(%arg14 : memref<!tpu.dma_semaphore, #tpu.memory_space<semaphore_mem>>)
      %mul3A_195 = arith.constant 16 : i32
      %mul3A_196 = arith.muli %scan3A_108, %mul3A_195 : i32
      %add3A_197 = arith.constant 6 : i32
      %add3A_198 = arith.addi %mul3A_196, %add3A_197 : i32
      %slice3A_199 = vector.extract_strided_slice %get3A_112 {offsets = [6], sizes = [1], strides = [1]} : vector<16xi32> to vector<1xi32>
      %squeeze3A_200 = vector.extract %slice3A_199[0] : i32 from vector<1xi32>
      %dma_start3A_201 = arith.constant 0 : i32
      %dma_start3A_202 = tpu.memref_slice %arg10[%add3A_198, %dma_start3A_201] : memref<512x64xf32, #tpu.memory_space<vmem>> -> memref<1x64xf32, #tpu.memory_space<vmem>>
      %dma_start3A_203 = arith.constant 0 : i32
      %dma_start3A_204 = tpu.memref_slice %arg3[%squeeze3A_200, %dma_start3A_203] : memref<100000x64xf32, #tpu.memory_space<hbm>> -> memref<1x64xf32, #tpu.memory_space<hbm>>
      %dma_start3A_205 = arith.constant 0 : i32
      %dma_start3A_206 = tpu.memref_slice %arg10[%add3A_198, %dma_start3A_205] : memref<512x64xf32, #tpu.memory_space<vmem>> -> memref<1x64xf32, #tpu.memory_space<vmem>>
      %dma_start3A_207 = arith.constant 0 : i32
      %dma_start3A_208 = tpu.memref_slice %arg3[%squeeze3A_200, %dma_start3A_207] : memref<100000x64xf32, #tpu.memory_space<hbm>> -> memref<1x64xf32, #tpu.memory_space<hbm>>
      tpu.enqueue_dma source(%dma_start3A_208 : memref<1x64xf32, #tpu.memory_space<hbm>>) target(%dma_start3A_206 : memref<1x64xf32, #tpu.memory_space<vmem>>) target_semaphore(%arg14 : memref<!tpu.dma_semaphore, #tpu.memory_space<semaphore_mem>>)
      %mul3A_209 = arith.constant 16 : i32
      %mul3A_210 = arith.muli %scan3A_108, %mul3A_209 : i32
      %add3A_211 = arith.constant 7 : i32
      %add3A_212 = arith.addi %mul3A_210, %add3A_211 : i32
      %slice3A_213 = vector.extract_strided_slice %get3A_112 {offsets = [7], sizes = [1], strides = [1]} : vector<16xi32> to vector<1xi32>
      %squeeze3A_214 = vector.extract %slice3A_213[0] : i32 from vector<1xi32>
      %dma_start3A_215 = arith.constant 0 : i32
      %dma_start3A_216 = tpu.memref_slice %arg10[%add3A_212, %dma_start3A_215] : memref<512x64xf32, #tpu.memory_space<vmem>> -> memref<1x64xf32, #tpu.memory_space<vmem>>
      %dma_start3A_217 = arith.constant 0 : i32
      %dma_start3A_218 = tpu.memref_slice %arg3[%squeeze3A_214, %dma_start3A_217] : memref<100000x64xf32, #tpu.memory_space<hbm>> -> memref<1x64xf32, #tpu.memory_space<hbm>>
      %dma_start3A_219 = arith.constant 0 : i32
      %dma_start3A_220 = tpu.memref_slice %arg10[%add3A_212, %dma_start3A_219] : memref<512x64xf32, #tpu.memory_space<vmem>> -> memref<1x64xf32, #tpu.memory_space<vmem>>
      %dma_start3A_221 = arith.constant 0 : i32
      %dma_start3A_222 = tpu.memref_slice %arg3[%squeeze3A_214, %dma_start3A_221] : memref<100000x64xf32, #tpu.memory_space<hbm>> -> memref<1x64xf32, #tpu.memory_space<hbm>>
      tpu.enqueue_dma source(%dma_start3A_222 : memref<1x64xf32, #tpu.memory_space<hbm>>) target(%dma_start3A_220 : memref<1x64xf32, #tpu.memory_space<vmem>>) target_semaphore(%arg14 : memref<!tpu.dma_semaphore, #tpu.memory_space<semaphore_mem>>)
      %mul3A_223 = arith.constant 16 : i32
      %mul3A_224 = arith.muli %scan3A_108, %mul3A_223 : i32
      %add3A_225 = arith.constant 8 : i32
      %add3A_226 = arith.addi %mul3A_224, %add3A_225 : i32
      %slice3A_227 = vector.extract_strided_slice %get3A_112 {offsets = [8], sizes = [1], strides = [1]} : vector<16xi32> to vector<1xi32>
      %squeeze3A_228 = vector.extract %slice3A_227[0] : i32 from vector<1xi32>
      %dma_start3A_229 = arith.constant 0 : i32
      %dma_start3A_230 = tpu.memref_slice %arg10[%add3A_226, %dma_start3A_229] : memref<512x64xf32, #tpu.memory_space<vmem>> -> memref<1x64xf32, #tpu.memory_space<vmem>>
      %dma_start3A_231 = arith.constant 0 : i32
      %dma_start3A_232 = tpu.memref_slice %arg3[%squeeze3A_228, %dma_start3A_231] : memref<100000x64xf32, #tpu.memory_space<hbm>> -> memref<1x64xf32, #tpu.memory_space<hbm>>
      %dma_start3A_233 = arith.constant 0 : i32
      %dma_start3A_234 = tpu.memref_slice %arg10[%add3A_226, %dma_start3A_233] : memref<512x64xf32, #tpu.memory_space<vmem>> -> memref<1x64xf32, #tpu.memory_space<vmem>>
      %dma_start3A_235 = arith.constant 0 : i32
      %dma_start3A_236 = tpu.memref_slice %arg3[%squeeze3A_228, %dma_start3A_235] : memref<100000x64xf32, #tpu.memory_space<hbm>> -> memref<1x64xf32, #tpu.memory_space<hbm>>
      tpu.enqueue_dma source(%dma_start3A_236 : memref<1x64xf32, #tpu.memory_space<hbm>>) target(%dma_start3A_234 : memref<1x64xf32, #tpu.memory_space<vmem>>) target_semaphore(%arg14 : memref<!tpu.dma_semaphore, #tpu.memory_space<semaphore_mem>>)
      %mul3A_237 = arith.constant 16 : i32
      %mul3A_238 = arith.muli %scan3A_108, %mul3A_237 : i32
      %add3A_239 = arith.constant 9 : i32
      %add3A_240 = arith.addi %mul3A_238, %add3A_239 : i32
      %slice3A_241 = vector.extract_strided_slice %get3A_112 {offsets = [9], sizes = [1], strides = [1]} : vector<16xi32> to vector<1xi32>
      %squeeze3A_242 = vector.extract %slice3A_241[0] : i32 from vector<1xi32>
      %dma_start3A_243 = arith.constant 0 : i32
      %dma_start3A_244 = tpu.memref_slice %arg10[%add3A_240, %dma_start3A_243] : memref<512x64xf32, #tpu.memory_space<vmem>> -> memref<1x64xf32, #tpu.memory_space<vmem>>
      %dma_start3A_245 = arith.constant 0 : i32
      %dma_start3A_246 = tpu.memref_slice %arg3[%squeeze3A_242, %dma_start3A_245] : memref<100000x64xf32, #tpu.memory_space<hbm>> -> memref<1x64xf32, #tpu.memory_space<hbm>>
      %dma_start3A_247 = arith.constant 0 : i32
      %dma_start3A_248 = tpu.memref_slice %arg10[%add3A_240, %dma_start3A_247] : memref<512x64xf32, #tpu.memory_space<vmem>> -> memref<1x64xf32, #tpu.memory_space<vmem>>
      %dma_start3A_249 = arith.constant 0 : i32
      %dma_start3A_250 = tpu.memref_slice %arg3[%squeeze3A_242, %dma_start3A_249] : memref<100000x64xf32, #tpu.memory_space<hbm>> -> memref<1x64xf32, #tpu.memory_space<hbm>>
      tpu.enqueue_dma source(%dma_start3A_250 : memref<1x64xf32, #tpu.memory_space<hbm>>) target(%dma_start3A_248 : memref<1x64xf32, #tpu.memory_space<vmem>>) target_semaphore(%arg14 : memref<!tpu.dma_semaphore, #tpu.memory_space<semaphore_mem>>)
      %mul3A_251 = arith.constant 16 : i32
      %mul3A_252 = arith.muli %scan3A_108, %mul3A_251 : i32
      %add3A_253 = arith.constant 10 : i32
      %add3A_254 = arith.addi %mul3A_252, %add3A_253 : i32
      %slice3A_255 = vector.extract_strided_slice %get3A_112 {offsets = [10], sizes = [1], strides = [1]} : vector<16xi32> to vector<1xi32>
      %squeeze3A_256 = vector.extract %slice3A_255[0] : i32 from vector<1xi32>
      %dma_start3A_257 = arith.constant 0 : i32
      %dma_start3A_258 = tpu.memref_slice %arg10[%add3A_254, %dma_start3A_257] : memref<512x64xf32, #tpu.memory_space<vmem>> -> memref<1x64xf32, #tpu.memory_space<vmem>>
      %dma_start3A_259 = arith.constant 0 : i32
      %dma_start3A_260 = tpu.memref_slice %arg3[%squeeze3A_256, %dma_start3A_259] : memref<100000x64xf32, #tpu.memory_space<hbm>> -> memref<1x64xf32, #tpu.memory_space<hbm>>
      %dma_start3A_261 = arith.constant 0 : i32
      %dma_start3A_262 = tpu.memref_slice %arg10[%add3A_254, %dma_start3A_261] : memref<512x64xf32, #tpu.memory_space<vmem>> -> memref<1x64xf32, #tpu.memory_space<vmem>>
      %dma_start3A_263 = arith.constant 0 : i32
      %dma_start3A_264 = tpu.memref_slice %arg3[%squeeze3A_256, %dma_start3A_263] : memref<100000x64xf32, #tpu.memory_space<hbm>> -> memref<1x64xf32, #tpu.memory_space<hbm>>
      tpu.enqueue_dma source(%dma_start3A_264 : memref<1x64xf32, #tpu.memory_space<hbm>>) target(%dma_start3A_262 : memref<1x64xf32, #tpu.memory_space<vmem>>) target_semaphore(%arg14 : memref<!tpu.dma_semaphore, #tpu.memory_space<semaphore_mem>>)
      %mul3A_265 = arith.constant 16 : i32
      %mul3A_266 = arith.muli %scan3A_108, %mul3A_265 : i32
      %add3A_267 = arith.constant 11 : i32
      %add3A_268 = arith.addi %mul3A_266, %add3A_267 : i32
      %slice3A_269 = vector.extract_strided_slice %get3A_112 {offsets = [11], sizes = [1], strides = [1]} : vector<16xi32> to vector<1xi32>
      %squeeze3A_270 = vector.extract %slice3A_269[0] : i32 from vector<1xi32>
      %dma_start3A_271 = arith.constant 0 : i32
      %dma_start3A_272 = tpu.memref_slice %arg10[%add3A_268, %dma_start3A_271] : memref<512x64xf32, #tpu.memory_space<vmem>> -> memref<1x64xf32, #tpu.memory_space<vmem>>
      %dma_start3A_273 = arith.constant 0 : i32
      %dma_start3A_274 = tpu.memref_slice %arg3[%squeeze3A_270, %dma_start3A_273] : memref<100000x64xf32, #tpu.memory_space<hbm>> -> memref<1x64xf32, #tpu.memory_space<hbm>>
      %dma_start3A_275 = arith.constant 0 : i32
      %dma_start3A_276 = tpu.memref_slice %arg10[%add3A_268, %dma_start3A_275] : memref<512x64xf32, #tpu.memory_space<vmem>> -> memref<1x64xf32, #tpu.memory_space<vmem>>
      %dma_start3A_277 = arith.constant 0 : i32
      %dma_start3A_278 = tpu.memref_slice %arg3[%squeeze3A_270, %dma_start3A_277] : memref<100000x64xf32, #tpu.memory_space<hbm>> -> memref<1x64xf32, #tpu.memory_space<hbm>>
      tpu.enqueue_dma source(%dma_start3A_278 : memref<1x64xf32, #tpu.memory_space<hbm>>) target(%dma_start3A_276 : memref<1x64xf32, #tpu.memory_space<vmem>>) target_semaphore(%arg14 : memref<!tpu.dma_semaphore, #tpu.memory_space<semaphore_mem>>)
      %mul3A_279 = arith.constant 16 : i32
      %mul3A_280 = arith.muli %scan3A_108, %mul3A_279 : i32
      %add3A_281 = arith.constant 12 : i32
      %add3A_282 = arith.addi %mul3A_280, %add3A_281 : i32
      %slice3A_283 = vector.extract_strided_slice %get3A_112 {offsets = [12], sizes = [1], strides = [1]} : vector<16xi32> to vector<1xi32>
      %squeeze3A_284 = vector.extract %slice3A_283[0] : i32 from vector<1xi32>
      %dma_start3A_285 = arith.constant 0 : i32
      %dma_start3A_286 = tpu.memref_slice %arg10[%add3A_282, %dma_start3A_285] : memref<512x64xf32, #tpu.memory_space<vmem>> -> memref<1x64xf32, #tpu.memory_space<vmem>>
      %dma_start3A_287 = arith.constant 0 : i32
      %dma_start3A_288 = tpu.memref_slice %arg3[%squeeze3A_284, %dma_start3A_287] : memref<100000x64xf32, #tpu.memory_space<hbm>> -> memref<1x64xf32, #tpu.memory_space<hbm>>
      %dma_start3A_289 = arith.constant 0 : i32
      %dma_start3A_290 = tpu.memref_slice %arg10[%add3A_282, %dma_start3A_289] : memref<512x64xf32, #tpu.memory_space<vmem>> -> memref<1x64xf32, #tpu.memory_space<vmem>>
      %dma_start3A_291 = arith.constant 0 : i32
      %dma_start3A_292 = tpu.memref_slice %arg3[%squeeze3A_284, %dma_start3A_291] : memref<100000x64xf32, #tpu.memory_space<hbm>> -> memref<1x64xf32, #tpu.memory_space<hbm>>
      tpu.enqueue_dma source(%dma_start3A_292 : memref<1x64xf32, #tpu.memory_space<hbm>>) target(%dma_start3A_290 : memref<1x64xf32, #tpu.memory_space<vmem>>) target_semaphore(%arg14 : memref<!tpu.dma_semaphore, #tpu.memory_space<semaphore_mem>>)
      %mul3A_293 = arith.constant 16 : i32
      %mul3A_294 = arith.muli %scan3A_108, %mul3A_293 : i32
      %add3A_295 = arith.constant 13 : i32
      %add3A_296 = arith.addi %mul3A_294, %add3A_295 : i32
      %slice3A_297 = vector.extract_strided_slice %get3A_112 {offsets = [13], sizes = [1], strides = [1]} : vector<16xi32> to vector<1xi32>
      %squeeze3A_298 = vector.extract %slice3A_297[0] : i32 from vector<1xi32>
      %dma_start3A_299 = arith.constant 0 : i32
      %dma_start3A_300 = tpu.memref_slice %arg10[%add3A_296, %dma_start3A_299] : memref<512x64xf32, #tpu.memory_space<vmem>> -> memref<1x64xf32, #tpu.memory_space<vmem>>
      %dma_start3A_301 = arith.constant 0 : i32
      %dma_start3A_302 = tpu.memref_slice %arg3[%squeeze3A_298, %dma_start3A_301] : memref<100000x64xf32, #tpu.memory_space<hbm>> -> memref<1x64xf32, #tpu.memory_space<hbm>>
      %dma_start3A_303 = arith.constant 0 : i32
      %dma_start3A_304 = tpu.memref_slice %arg10[%add3A_296, %dma_start3A_303] : memref<512x64xf32, #tpu.memory_space<vmem>> -> memref<1x64xf32, #tpu.memory_space<vmem>>
      %dma_start3A_305 = arith.constant 0 : i32
      %dma_start3A_306 = tpu.memref_slice %arg3[%squeeze3A_298, %dma_start3A_305] : memref<100000x64xf32, #tpu.memory_space<hbm>> -> memref<1x64xf32, #tpu.memory_space<hbm>>
      tpu.enqueue_dma source(%dma_start3A_306 : memref<1x64xf32, #tpu.memory_space<hbm>>) target(%dma_start3A_304 : memref<1x64xf32, #tpu.memory_space<vmem>>) target_semaphore(%arg14 : memref<!tpu.dma_semaphore, #tpu.memory_space<semaphore_mem>>)
      %mul3A_307 = arith.constant 16 : i32
      %mul3A_308 = arith.muli %scan3A_108, %mul3A_307 : i32
      %add3A_309 = arith.constant 14 : i32
      %add3A_310 = arith.addi %mul3A_308, %add3A_309 : i32
      %slice3A_311 = vector.extract_strided_slice %get3A_112 {offsets = [14], sizes = [1], strides = [1]} : vector<16xi32> to vector<1xi32>
      %squeeze3A_312 = vector.extract %slice3A_311[0] : i32 from vector<1xi32>
      %dma_start3A_313 = arith.constant 0 : i32
      %dma_start3A_314 = tpu.memref_slice %arg10[%add3A_310, %dma_start3A_313] : memref<512x64xf32, #tpu.memory_space<vmem>> -> memref<1x64xf32, #tpu.memory_space<vmem>>
      %dma_start3A_315 = arith.constant 0 : i32
      %dma_start3A_316 = tpu.memref_slice %arg3[%squeeze3A_312, %dma_start3A_315] : memref<100000x64xf32, #tpu.memory_space<hbm>> -> memref<1x64xf32, #tpu.memory_space<hbm>>
      %dma_start3A_317 = arith.constant 0 : i32
      %dma_start3A_318 = tpu.memref_slice %arg10[%add3A_310, %dma_start3A_317] : memref<512x64xf32, #tpu.memory_space<vmem>> -> memref<1x64xf32, #tpu.memory_space<vmem>>
      %dma_start3A_319 = arith.constant 0 : i32
      %dma_start3A_320 = tpu.memref_slice %arg3[%squeeze3A_312, %dma_start3A_319] : memref<100000x64xf32, #tpu.memory_space<hbm>> -> memref<1x64xf32, #tpu.memory_space<hbm>>
      tpu.enqueue_dma source(%dma_start3A_320 : memref<1x64xf32, #tpu.memory_space<hbm>>) target(%dma_start3A_318 : memref<1x64xf32, #tpu.memory_space<vmem>>) target_semaphore(%arg14 : memref<!tpu.dma_semaphore, #tpu.memory_space<semaphore_mem>>)
      %mul3A_321 = arith.constant 16 : i32
      %mul3A_322 = arith.muli %scan3A_108, %mul3A_321 : i32
      %add3A_323 = arith.constant 15 : i32
      %add3A_324 = arith.addi %mul3A_322, %add3A_323 : i32
      %slice3A_325 = vector.extract_strided_slice %get3A_112 {offsets = [15], sizes = [1], strides = [1]} : vector<16xi32> to vector<1xi32>
      %squeeze3A_326 = vector.extract %slice3A_325[0] : i32 from vector<1xi32>
      %dma_start3A_327 = arith.constant 0 : i32
      %dma_start3A_328 = tpu.memref_slice %arg10[%add3A_324, %dma_start3A_327] : memref<512x64xf32, #tpu.memory_space<vmem>> -> memref<1x64xf32, #tpu.memory_space<vmem>>
      %dma_start3A_329 = arith.constant 0 : i32
      %dma_start3A_330 = tpu.memref_slice %arg3[%squeeze3A_326, %dma_start3A_329] : memref<100000x64xf32, #tpu.memory_space<hbm>> -> memref<1x64xf32, #tpu.memory_space<hbm>>
      %dma_start3A_331 = arith.constant 0 : i32
      %dma_start3A_332 = tpu.memref_slice %arg10[%add3A_324, %dma_start3A_331] : memref<512x64xf32, #tpu.memory_space<vmem>> -> memref<1x64xf32, #tpu.memory_space<vmem>>
      %dma_start3A_333 = arith.constant 0 : i32
      %dma_start3A_334 = tpu.memref_slice %arg3[%squeeze3A_326, %dma_start3A_333] : memref<100000x64xf32, #tpu.memory_space<hbm>> -> memref<1x64xf32, #tpu.memory_space<hbm>>
      tpu.enqueue_dma source(%dma_start3A_334 : memref<1x64xf32, #tpu.memory_space<hbm>>) target(%dma_start3A_332 : memref<1x64xf32, #tpu.memory_space<vmem>>) target_semaphore(%arg14 : memref<!tpu.dma_semaphore, #tpu.memory_space<semaphore_mem>>)
    }
    %scan3A_54 = arith.constant 32 : i32
    %dma_wait3A = arith.constant 0 : i32
    %dma_wait3A_55 = arith.constant 0 : i32
    %dma_wait3A_56 = tpu.memref_slice %arg3[%dma_wait3A, %dma_wait3A_55] : memref<100000x64xf32, #tpu.memory_space<hbm>> -> memref<512x64xf32, #tpu.memory_space<hbm>>
    %dma_wait3A_57 = arith.constant 0 : i32
    %dma_wait3A_58 = arith.constant 0 : i32
    %dma_wait3A_59 = tpu.memref_slice %arg3[%dma_wait3A_57, %dma_wait3A_58] : memref<100000x64xf32, #tpu.memory_space<hbm>> -> memref<512x64xf32, #tpu.memory_space<hbm>>
    tpu.wait_dma2 semaphore(%arg14 : memref<!tpu.dma_semaphore, #tpu.memory_space<semaphore_mem>>) src(%dma_wait3A_59 : memref<512x64xf32, #tpu.memory_space<hbm>>) dst(%arg10 : memref<512x64xf32, #tpu.memory_space<vmem>>)
    %dma_wait3A_60 = arith.constant 0 : i32
    %dma_wait3A_61 = tpu.memref_slice %arg11[%dma_wait3A_60] : memref<512xf32, #tpu.memory_space<vmem>> -> memref<128xf32, #tpu.memory_space<vmem>>
    %dma_wait3A_62 = arith.constant 0 : i32
    %dma_wait3A_63 = tpu.memref_slice %arg9[%dma_wait3A_62] : memref<512xi32, #tpu.memory_space<vmem>> -> memref<128xi32, #tpu.memory_space<vmem>>
    %dma_wait3A_64 = arith.constant 0 : i32
    %dma_wait3A_65 = tpu.memref_slice %arg4[%dma_wait3A_64] : memref<100000xf32, #tpu.memory_space<hbm>> -> memref<100000xf32, #tpu.memory_space<hbm>>
    tpu.wait_indirect_dma semaphore(%arg13 : memref<!tpu.dma_semaphore, #tpu.memory_space<semaphore_mem>>) src(%dma_wait3A_65 : memref<100000xf32, #tpu.memory_space<hbm>>) dst(%dma_wait3A_61 : memref<128xf32, #tpu.memory_space<vmem>>)
    %dma_wait3A_66 = arith.constant 0 : i32
    %dma_wait3A_67 = tpu.memref_slice %arg12[%dma_wait3A_66] : memref<512xf32, #tpu.memory_space<vmem>> -> memref<128xf32, #tpu.memory_space<vmem>>
    %dma_wait3A_68 = arith.constant 0 : i32
    %dma_wait3A_69 = tpu.memref_slice %arg9[%dma_wait3A_68] : memref<512xi32, #tpu.memory_space<vmem>> -> memref<128xi32, #tpu.memory_space<vmem>>
    %dma_wait3A_70 = arith.constant 0 : i32
    %dma_wait3A_71 = tpu.memref_slice %arg5[%dma_wait3A_70] : memref<100000xf32, #tpu.memory_space<hbm>> -> memref<100000xf32, #tpu.memory_space<hbm>>
    tpu.wait_indirect_dma semaphore(%arg13 : memref<!tpu.dma_semaphore, #tpu.memory_space<semaphore_mem>>) src(%dma_wait3A_71 : memref<100000xf32, #tpu.memory_space<hbm>>) dst(%dma_wait3A_67 : memref<128xf32, #tpu.memory_space<vmem>>)
    %dma_wait3A_72 = arith.constant 128 : i32
    %dma_wait3A_73 = tpu.memref_slice %arg11[%dma_wait3A_72] : memref<512xf32, #tpu.memory_space<vmem>> -> memref<128xf32, #tpu.memory_space<vmem>>
    %dma_wait3A_74 = arith.constant 128 : i32
    %dma_wait3A_75 = tpu.memref_slice %arg9[%dma_wait3A_74] : memref<512xi32, #tpu.memory_space<vmem>> -> memref<128xi32, #tpu.memory_space<vmem>>
    %dma_wait3A_76 = arith.constant 0 : i32
    %dma_wait3A_77 = tpu.memref_slice %arg4[%dma_wait3A_76] : memref<100000xf32, #tpu.memory_space<hbm>> -> memref<100000xf32, #tpu.memory_space<hbm>>
    tpu.wait_indirect_dma semaphore(%arg13 : memref<!tpu.dma_semaphore, #tpu.memory_space<semaphore_mem>>) src(%dma_wait3A_77 : memref<100000xf32, #tpu.memory_space<hbm>>) dst(%dma_wait3A_73 : memref<128xf32, #tpu.memory_space<vmem>>)
    %dma_wait3A_78 = arith.constant 128 : i32
    %dma_wait3A_79 = tpu.memref_slice %arg12[%dma_wait3A_78] : memref<512xf32, #tpu.memory_space<vmem>> -> memref<128xf32, #tpu.memory_space<vmem>>
    %dma_wait3A_80 = arith.constant 128 : i32
    %dma_wait3A_81 = tpu.memref_slice %arg9[%dma_wait3A_80] : memref<512xi32, #tpu.memory_space<vmem>> -> memref<128xi32, #tpu.memory_space<vmem>>
    %dma_wait3A_82 = arith.constant 0 : i32
    %dma_wait3A_83 = tpu.memref_slice %arg5[%dma_wait3A_82] : memref<100000xf32, #tpu.memory_space<hbm>> -> memref<100000xf32, #tpu.memory_space<hbm>>
    tpu.wait_indirect_dma semaphore(%arg13 : memref<!tpu.dma_semaphore, #tpu.memory_space<semaphore_mem>>) src(%dma_wait3A_83 : memref<100000xf32, #tpu.memory_space<hbm>>) dst(%dma_wait3A_79 : memref<128xf32, #tpu.memory_space<vmem>>)
    %dma_wait3A_84 = arith.constant 256 : i32
    %dma_wait3A_85 = tpu.memref_slice %arg11[%dma_wait3A_84] : memref<512xf32, #tpu.memory_space<vmem>> -> memref<128xf32, #tpu.memory_space<vmem>>
    %dma_wait3A_86 = arith.constant 256 : i32
    %dma_wait3A_87 = tpu.memref_slice %arg9[%dma_wait3A_86] : memref<512xi32, #tpu.memory_space<vmem>> -> memref<128xi32, #tpu.memory_space<vmem>>
    %dma_wait3A_88 = arith.constant 0 : i32
    %dma_wait3A_89 = tpu.memref_slice %arg4[%dma_wait3A_88] : memref<100000xf32, #tpu.memory_space<hbm>> -> memref<100000xf32, #tpu.memory_space<hbm>>
    tpu.wait_indirect_dma semaphore(%arg13 : memref<!tpu.dma_semaphore, #tpu.memory_space<semaphore_mem>>) src(%dma_wait3A_89 : memref<100000xf32, #tpu.memory_space<hbm>>) dst(%dma_wait3A_85 : memref<128xf32, #tpu.memory_space<vmem>>)
    %dma_wait3A_90 = arith.constant 256 : i32
    %dma_wait3A_91 = tpu.memref_slice %arg12[%dma_wait3A_90] : memref<512xf32, #tpu.memory_space<vmem>> -> memref<128xf32, #tpu.memory_space<vmem>>
    %dma_wait3A_92 = arith.constant 256 : i32
    %dma_wait3A_93 = tpu.memref_slice %arg9[%dma_wait3A_92] : memref<512xi32, #tpu.memory_space<vmem>> -> memref<128xi32, #tpu.memory_space<vmem>>
    %dma_wait3A_94 = arith.constant 0 : i32
    %dma_wait3A_95 = tpu.memref_slice %arg5[%dma_wait3A_94] : memref<100000xf32, #tpu.memory_space<hbm>> -> memref<100000xf32, #tpu.memory_space<hbm>>
    tpu.wait_indirect_dma semaphore(%arg13 : memref<!tpu.dma_semaphore, #tpu.memory_space<semaphore_mem>>) src(%dma_wait3A_95 : memref<100000xf32, #tpu.memory_space<hbm>>) dst(%dma_wait3A_91 : memref<128xf32, #tpu.memory_space<vmem>>)
    %dma_wait3A_96 = arith.constant 384 : i32
    %dma_wait3A_97 = tpu.memref_slice %arg11[%dma_wait3A_96] : memref<512xf32, #tpu.memory_space<vmem>> -> memref<128xf32, #tpu.memory_space<vmem>>
    %dma_wait3A_98 = arith.constant 384 : i32
    %dma_wait3A_99 = tpu.memref_slice %arg9[%dma_wait3A_98] : memref<512xi32, #tpu.memory_space<vmem>> -> memref<128xi32, #tpu.memory_space<vmem>>
    %dma_wait3A_100 = arith.constant 0 : i32
    %dma_wait3A_101 = tpu.memref_slice %arg4[%dma_wait3A_100] : memref<100000xf32, #tpu.memory_space<hbm>> -> memref<100000xf32, #tpu.memory_space<hbm>>
    tpu.wait_indirect_dma semaphore(%arg13 : memref<!tpu.dma_semaphore, #tpu.memory_space<semaphore_mem>>) src(%dma_wait3A_101 : memref<100000xf32, #tpu.memory_space<hbm>>) dst(%dma_wait3A_97 : memref<128xf32, #tpu.memory_space<vmem>>)
    %dma_wait3A_102 = arith.constant 384 : i32
    %dma_wait3A_103 = tpu.memref_slice %arg12[%dma_wait3A_102] : memref<512xf32, #tpu.memory_space<vmem>> -> memref<128xf32, #tpu.memory_space<vmem>>
    %dma_wait3A_104 = arith.constant 384 : i32
    %dma_wait3A_105 = tpu.memref_slice %arg9[%dma_wait3A_104] : memref<512xi32, #tpu.memory_space<vmem>> -> memref<128xi32, #tpu.memory_space<vmem>>
    %dma_wait3A_106 = arith.constant 0 : i32
    %dma_wait3A_107 = tpu.memref_slice %arg5[%dma_wait3A_106] : memref<100000xf32, #tpu.memory_space<hbm>> -> memref<100000xf32, #tpu.memory_space<hbm>>
    tpu.wait_indirect_dma semaphore(%arg13 : memref<!tpu.dma_semaphore, #tpu.memory_space<semaphore_mem>>) src(%dma_wait3A_107 : memref<100000xf32, #tpu.memory_space<hbm>>) dst(%dma_wait3A_103 : memref<128xf32, #tpu.memory_space<vmem>>)
    "tpu.region"() ({
      %run_scoped3A = tpu.sem_alloc : memref<!tpu.dma_semaphore, #tpu.memory_space<semaphore_mem>>
      %dma_start3A_108 = arith.constant 0 : i32
      %dma_start3A_109 = tpu.memref_slice %arg6[%mul3A_2, %dma_start3A_108] : memref<16384x64xf32, #tpu.memory_space<hbm>> -> memref<512x64xf32, #tpu.memory_space<hbm>>
      %dma_start3A_110 = arith.constant 0 : i32
      %dma_start3A_111 = tpu.memref_slice %arg6[%mul3A_2, %dma_start3A_110] : memref<16384x64xf32, #tpu.memory_space<hbm>> -> memref<512x64xf32, #tpu.memory_space<hbm>>
      tpu.enqueue_dma source(%arg10 : memref<512x64xf32, #tpu.memory_space<vmem>>) target(%dma_start3A_111 : memref<512x64xf32, #tpu.memory_space<hbm>>) target_semaphore(%run_scoped3A : memref<!tpu.dma_semaphore, #tpu.memory_space<semaphore_mem>>)
      %dma_wait3A_112 = arith.constant 0 : i32
      %dma_wait3A_113 = tpu.memref_slice %arg6[%mul3A_2, %dma_wait3A_112] : memref<16384x64xf32, #tpu.memory_space<hbm>> -> memref<512x64xf32, #tpu.memory_space<hbm>>
      %dma_wait3A_114 = arith.constant 0 : i32
      %dma_wait3A_115 = tpu.memref_slice %arg6[%mul3A_2, %dma_wait3A_114] : memref<16384x64xf32, #tpu.memory_space<hbm>> -> memref<512x64xf32, #tpu.memory_space<hbm>>
      tpu.wait_dma2 semaphore(%run_scoped3A : memref<!tpu.dma_semaphore, #tpu.memory_space<semaphore_mem>>) src(%arg10 : memref<512x64xf32, #tpu.memory_space<vmem>>) dst(%dma_wait3A_115 : memref<512x64xf32, #tpu.memory_space<hbm>>)
      tpu.yield
    }) : () -> ()
    "tpu.region"() ({
      %run_scoped3A = tpu.sem_alloc : memref<!tpu.dma_semaphore, #tpu.memory_space<semaphore_mem>>
      %dma_start3A_108 = tpu.memref_slice %arg7[%mul3A_2] : memref<16384xf32, #tpu.memory_space<hbm>> -> memref<512xf32, #tpu.memory_space<hbm>>
      %dma_start3A_109 = tpu.memref_slice %arg7[%mul3A_2] : memref<16384xf32, #tpu.memory_space<hbm>> -> memref<512xf32, #tpu.memory_space<hbm>>
      tpu.enqueue_dma source(%arg11 : memref<512xf32, #tpu.memory_space<vmem>>) target(%dma_start3A_109 : memref<512xf32, #tpu.memory_space<hbm>>) target_semaphore(%run_scoped3A : memref<!tpu.dma_semaphore, #tpu.memory_space<semaphore_mem>>)
      %dma_wait3A_110 = tpu.memref_slice %arg7[%mul3A_2] : memref<16384xf32, #tpu.memory_space<hbm>> -> memref<512xf32, #tpu.memory_space<hbm>>
      %dma_wait3A_111 = tpu.memref_slice %arg7[%mul3A_2] : memref<16384xf32, #tpu.memory_space<hbm>> -> memref<512xf32, #tpu.memory_space<hbm>>
      tpu.wait_dma2 semaphore(%run_scoped3A : memref<!tpu.dma_semaphore, #tpu.memory_space<semaphore_mem>>) src(%arg11 : memref<512xf32, #tpu.memory_space<vmem>>) dst(%dma_wait3A_111 : memref<512xf32, #tpu.memory_space<hbm>>)
      tpu.yield
    }) : () -> ()
    "tpu.region"() ({
      %run_scoped3A = tpu.sem_alloc : memref<!tpu.dma_semaphore, #tpu.memory_space<semaphore_mem>>
      %dma_start3A_108 = tpu.memref_slice %arg8[%mul3A_2] : memref<16384xf32, #tpu.memory_space<hbm>> -> memref<512xf32, #tpu.memory_space<hbm>>
      %dma_start3A_109 = tpu.memref_slice %arg8[%mul3A_2] : memref<16384xf32, #tpu.memory_space<hbm>> -> memref<512xf32, #tpu.memory_space<hbm>>
      tpu.enqueue_dma source(%arg12 : memref<512xf32, #tpu.memory_space<vmem>>) target(%dma_start3A_109 : memref<512xf32, #tpu.memory_space<hbm>>) target_semaphore(%run_scoped3A : memref<!tpu.dma_semaphore, #tpu.memory_space<semaphore_mem>>)
      %dma_wait3A_110 = tpu.memref_slice %arg8[%mul3A_2] : memref<16384xf32, #tpu.memory_space<hbm>> -> memref<512xf32, #tpu.memory_space<hbm>>
      %dma_wait3A_111 = tpu.memref_slice %arg8[%mul3A_2] : memref<16384xf32, #tpu.memory_space<hbm>> -> memref<512xf32, #tpu.memory_space<hbm>>
      tpu.wait_dma2 semaphore(%run_scoped3A : memref<!tpu.dma_semaphore, #tpu.memory_space<semaphore_mem>>) src(%arg12 : memref<512xf32, #tpu.memory_space<vmem>>) dst(%dma_wait3A_111 : memref<512xf32, #tpu.memory_space<hbm>>)
      tpu.yield
    }) : () -> ()
    return
  }
}

</mosaic_0001>

<sc_bundles>
// kernel: kernel.3.cloned.1.call-start
scs
__scs_entry_jumppad:
0x0: {  	(pc) =	sbr.rel $0x88, $3  }
0x1: {  	(tag) =	ssettag $0x0;
	lr =	simm.s32 $0x1  }
0x2: {  	[smem:$0x3F9D] =	sst lr;
	_ =	strace $0xD0000000  }
0x3: {  	_ = 	snop  }
0x4: {  	_ = 	snop  }
0x5: {  	_ = 	snop  }
0x6: {  	_ = 	snop  }
0x7: {  	_ = 	snop  }
__scs_overlays_trampoline_lowered:
0x8: {  	[smem:$0x3FAC] =	sst s0  }
0x9: {  	[smem:$0x3FAD] =	sst s1  }
0xa: {  	[smem:$0x3FAE] =	sst s2  }
0xb: {  	[smem:$0x3FAF] =	sst s3  }
0xc: {  	[smem:$0x3FB0] =	sst s4  }
0xd: {  	[smem:$0x3FB1] =	sst s5  }
0xe: {  	[smem:$0x3FB2] =	sst s6  }
0xf: {  	[smem:$0x3FB3] =	sst s7  }
0x10: {  	[smem:$0x3FB4] =	sst s8  }
0x11: {  	[smem:$0x3FB5] =	sst s9;
	s0 =	simm.s32 @!p0 $0x0  }
0x12: {  	s1 =	sld [smem:$0x3F9B];
	s0 =	simm.s32 @p0 $0x1  }
0x13: {  	[smem:$0x3FB6] =	sst s0;
	s0 =	simm.s32 @!p1 $0x0  }
0x14: {  	s2 =	sld [smem:$0x3F9A];
	s0 =	simm.s32 @p1 $0x1  }
0x15: {  	[smem:$0x3FB7] =	sst s0;
	s0 =	simm.s32 @!p2 $0x0  }
0x16: {  	s3 =	sld [smem:$0x3FDB];
	s0 =	simm.s32 @p2 $0x1  }
0x17: {  	s4 =	simm.s32 $0x1BF5;
	[smem:$0x3FB9] =	sst s0  }
0x18: {  	s0 =	sld [smem:$0x3F9C];
	_ =	swait.ge [sflag:s4], $0x0  }
0x19: {  	s7 =	sld [smem:$0x3F9D]  }
0x1a: {  	s8 =	sadd.s32 $0xFFFFE003, lr  }
0x1b: {  	s9 =	sadd.s32 $0xFFFFFEF7, lr;
	s5 =	simm.s32 $0xFFFFFFFF;
	p2 =	slt.u32 s8, $0xFFFFF086  }
0x1c: {  	p1 =	slt.u32 s9, $0xF7A;
	s5 =	simm.s32 @!p2 $0x0  }
0x1d: {  	s5 =	simm.s32 @p1 $0x1;
	p0 =	seq.s32 s7, s2  }
0x1e: {  	s7 =	smul.u32 @!p0 $0xF7A, s2;
	p2 =	seq.s32 @!p0 s5, $0x0  }
0x1f: {  	s9 =	smul.u32 $0xF7A, s1;
	s8 =	simm.s32 @!p0 $0x1BF5;
	p2 =	por !p2, p0  }
0x20: {  	[sflag:s8] =	ssyncset.s32 @!p0 $0xFFFFF086;
	s6 =	sadd.s32 @!p0 s3, s7;
	s7 =	simm.s32 @!p0 $0x108  }
0x21: {  	s3 =	sadd.s32 s3, s9;
	s6 =	sadd.s32 @!p0 $0x88, s6;
	s7 =	simm.s32 @p2 $0x1082  }
0x22: {  	[simem:s7], [sflag:s8] =	dma.local @!p0 [hbm:s6], $0xF7A  }
0x23: {  	s9 =	sor.u32 $0xD0000000, s2;
	s6 =	simm.s32 $0x108;
	_ =	swait.ge @!p0 [sflag:s8], $0x0  }
0x24: {  	s3 =	sadd.s32 $0x88, s3;
	s6 =	simm.s32 @!p1 $0x1082;
	[sflag:s4] =	ssyncset.s32 $0xFFFFF086  }
0x25: {  	[simem:s6], [sflag:s4] =	dma.local [hbm:s3], $0xF7A  }
0x26: {  	[smem:$0x3F9D] =	sst s1;
	(tag) =	ssettag s2;
	_ =	strace s9  }
0x27: {  	s1 =	sld [smem:$0x3FAD]  }
0x28: {  	s2 =	sld [smem:$0x3FAE]  }
0x29: {  	s4 =	sld [smem:$0x3FB0]  }
0x2a: {  	p0 =	seq.s32 s5, $0x0;
	s5 =	sld [smem:$0x3FB1]  }
0x2b: {  	s6 =	sld [smem:$0x3FB2]  }
0x2c: {  	s7 =	sld [smem:$0x3FB3]  }
0x2d: {  	s3 =	simm.s32 $0x108;
	s8 =	sld [smem:$0x3FB4]  }
0x2e: {  	s3 =	simm.s32 @!p0 $0x1082;
	s9 =	sld [smem:$0x3FB5]  }
0x2f: {  	lr =	sadd.s32 s0, s3;
	s0 =	sld [smem:$0x3FAC]  }
0x30: {  	s3 =	sld [smem:$0x3FAF]  }
0x31: {  	[smem:$0x3FB8] =	sst s10  }
0x32: {  	s10 =	sld [smem:$0x3FB6];
	_ =	sdelay $0x3  }
0x33: {  	p0 =	seq.s32 s10, $0x1;
	s10 =	sld [smem:$0x3FB8];
	_ =	sdelay $0x3  }
0x34: {  	[smem:$0x3FB8] =	sst s10  }
0x35: {  	s10 =	sld [smem:$0x3FB7];
	_ =	sdelay $0x3  }
0x36: {  	p1 =	seq.s32 s10, $0x1;
	s10 =	sld [smem:$0x3FB8];
	_ =	sdelay $0x3  }
0x37: {  	[smem:$0x3FB8] =	sst s10  }
0x38: {  	s10 =	sld [smem:$0x3FB9]  }
0x39: {  	_ = 	snop;
	(pc) =	sbr.ind lr, $3  }
0x3a: {  	_ = 	snop  }
0x3b: {  	_ = 	snop  }
0x3c: {  	p2 =	seq.s32 s10, $0x1;
	s10 =	sld [smem:$0x3FB8]  }
0x3d: {  	_ =	shalt  }
0x3e: {  	_ =	shalt  }
0x3f: {  	_ =	shalt  }
0x40: {  	_ =	shalt  }
0x41: {  	_ =	shalt  }
0x42: {  	_ =	shalt  }
0x43: {  	_ =	shalt  }
0x44: {  	_ =	shalt  }
0x45: {  	_ =	shalt  }
0x46: {  	_ =	shalt  }
0x47: {  	_ =	shalt  }
0x48: {  	_ =	shalt  }
0x49: {  	_ =	shalt  }
0x4a: {  	_ =	shalt  }
0x4b: {  	_ =	shalt  }
0x4c: {  	_ =	shalt  }
0x4d: {  	_ =	shalt  }
0x4e: {  	_ =	shalt  }
0x4f: {  	_ =	shalt  }
0x50: {  	_ =	shalt  }
0x51: {  	_ =	shalt  }
0x52: {  	_ =	shalt  }
0x53: {  	_ =	shalt  }
0x54: {  	_ =	shalt  }
0x55: {  	_ =	shalt  }
0x56: {  	_ =	shalt  }
0x57: {  	_ =	shalt  }
0x58: {  	_ =	shalt  }
0x59: {  	_ =	shalt  }
0x5a: {  	_ =	shalt  }
0x5b: {  	_ =	shalt  }
0x5c: {  	_ =	shalt  }
0x5d: {  	_ =	shalt  }
0x5e: {  	_ =	shalt  }
0x5f: {  	_ =	shalt  }
0x60: {  	_ =	shalt  }
0x61: {  	_ =	shalt  }
0x62: {  	_ =	shalt  }
0x63: {  	_ =	shalt  }
0x64: {  	_ =	shalt  }
0x65: {  	_ =	shalt  }
0x66: {  	_ =	shalt  }
0x67: {  	_ =	shalt  }
0x68: {  	_ =	shalt  }
0x69: {  	_ =	shalt  }
0x6a: {  	_ =	shalt  }
0x6b: {  	_ =	shalt  }
0x6c: {  	_ =	shalt  }
0x6d: {  	_ =	shalt  }
0x6e: {  	_ =	shalt  }
0x6f: {  	_ =	shalt  }
0x70: {  	_ =	shalt  }
0x71: {  	_ =	shalt  }
0x72: {  	_ =	shalt  }
0x73: {  	_ =	shalt  }
0x74: {  	_ =	shalt  }
0x75: {  	_ =	shalt  }
0x76: {  	_ =	shalt  }
0x77: {  	_ =	shalt  }
0x78: {  	_ =	shalt  }
0x79: {  	_ =	shalt  }
0x7a: {  	_ =	shalt  }
0x7b: {  	_ =	shalt  }
0x7c: {  	_ =	shalt  }
0x7d: {  	_ =	shalt  }
0x7e: {  	_ =	shalt  }
0x7f: {  	_ =	shalt  }
0x80: {  	_ =	shalt  }
0x81: {  	_ =	shalt  }
0x82: {  	_ =	shalt  }
0x83: {  	_ =	shalt  }
0x84: {  	_ =	shalt  }
0x85: {  	_ =	shalt  }
0x86: {  	_ =	shalt  }
0x87: {  	_ =	shalt  }
.Lfunc_end0:
.L_simem_size_0:
called_computation_lowered:
.L_overlay_start_0:
0x88: {  	s2 =	sld [smem:$0x3FD9]  }
0x89: {  	s3 =	sld [smem:$0x3FFE];
	_ =	sdelay $0x1  }
0x8a: {  	s1 =	srdreg.scid  }
0x8b: {  	s0 =	sand.u32 $0x1, s1  }
0x8c: {  	s14 =	sshll.u32 s0, $0xA;
	s2 =	sadd.s32 s3, s2  }
0x8d: {  	s2 =	sadd.s32 s2, s14  }
0x8e: {  	[smem:$0x3FC4] =	sst s2  }
0x8f: {  	_ = 	snop  }
0x90: {  	s2 =	sld [smem:$0x3FD0];
	_ =	sdelay $0x2  }
0x91: {  	s4 =	simm.s32 $0xA;
	s5 =	simm.s32 $0x10;
	s15 =	sld [smem:$0x3FC9]  }
0x92: {  	[smem:s5], [sflag:s4] =	dma.local [hbm:s2], $0x1  }
0x93: {  	_ =	swait.eq [sflag:s4], $0x1  }
0x94: {  	s16 =	sld [smem:$0x10];
	[sflag:s4] =	ssyncset.done $0x0  }
0x95: {  	s17 =	sld [smem:$0x11];
	[sflag:s4] =	ssyncadd.s32 $0xFFFFFFFF  }
0x96: {  	s18 =	sld [smem:$0x12];
	(tm) =	ssettm $0x1  }
0x97: {  	s6 =	sld [smem:$0x3FFB];
	_ =	sdelay $0x3  }
0x98: {  	_ =	strace s6  }
0x99: {  	s6 =	sld [smem:$0x3FFC];
	_ =	sdelay $0x3  }
0x9a: {  	_ =	strace s6  }
0x9b: {  	s6 =	sld [smem:$0x3FFD];
	_ =	sdelay $0x3  }
0x9c: {  	_ =	strace s6  }
0x9d: {  	_ =	strace $0x8FFFFFFF  }
0x9e: {  	s19 =	sld [smem:$0x3FDB];
	_ =	sdelay $0x1  }
0x9f: {  	s7 =	simm.s32 $_scs_section_size  }
0xa0: {  	s8 =	simm.s32 $_size__tile_overlayer_lowered;
	s9 =	simm.s32 $_tile_overlayer_lowered  }
0xa1: {  	s22 =	simm.s32 $0x1BFF;
	s21 =	sshll.u32 s9, $0x1;
	s6 =	sadd.s32 s7, s19  }
0xa2: {  	s10 =	simm.s32 $0x0;
	s20 =	sshll.u32 s8, $0x1;
	s8 =	sadd.s32 s21, s6  }
0xa3: {  	[timem:s10], [sflag:s22] =	dma.local [hbm:s8], s20  }
0xa4: {  	_ =	swait.ge [sflag:s22], s20  }
0xa5: {  	s7 =	ssub.s32 $0x0, s20;
	[sflag:s22] =	ssyncset.done $0x0  }
0xa6: {  	[sflag:s22] =	ssyncadd.s32 s7;
	_ =	sdelay $0x1  }
0xa7: {  	s23 =	simm.s32 $0x1B8B  }
0xa8: {  	_ =	swait.ge [sflag:s23], $0x1  }
0xa9: {  	[sflag:s23] =	ssyncset.done $0x0  }
0xaa: {  	s25 =	simm.s32 $0x1B8E;
	s24 =	sld [smem:$0x3FFE];
	[sflag:s23] =	ssyncadd.s32 $0xFFFFFFFF  }
0xab: {  	s26 =	simm.s32 $execute0_lowered;
	[smem:$0x3FD2] =	sst s25  }
0xac: {  	s8 =	sshll.u32 s26, $0x1;
	_ =	strace $0x80000046;
	[dreg:$0x1] =	wrdreg $0xFFFFFFFF  }
0xad: {  	s28 =	simm.s32 $_size_execute0_lowered;
	s6 =	sadd.s32 s6, s8;
	[dreg:$0x0] =	wrdreg $0x0  }
0xae: {  	s8 =	sshll.u32 s28, $0x1;
	[dreg:$0x2] =	wrdreg s6  }
0xaf: {  	[dreg:$0x3] =	wrdreg s8  }
0xb0: {  	[dreg:$0x4] =	wrdreg $0xC0  }
0xb1: {  	_ =	task [dreg:s10], $0x5FFFF  }
0xb2: {  	[dreg:$0x1] =	wrdreg $0xFFFFFFFF  }
0xb3: {  	[dreg:$0x0] =	wrdreg $0x60  }
0xb4: {  	[dreg:$0x2] =	wrdreg s15  }
0xb5: {  	[dreg:$0x3] =	wrdreg s24  }
0xb6: {  	[dreg:$0x4] =	wrdreg s16  }
0xb7: {  	[dreg:$0x5] =	wrdreg s17  }
0xb8: {  	[dreg:$0x6] =	wrdreg s18  }
0xb9: {  	[dreg:$0x7] =	wrdreg $0x9  }
0xba: {  	_ =	task.clear_ibuf [dreg:s10], $0x8FFFF;
	_ =	strace $0x90000046  }
0xbb: {  	s29 =	simm.s32 $0x9;
	_ =	strace $0x80000048  }
0xbc: {  	_ =	swait.ge [sflag:s29], $0x1  }
0xbd: {  	[sflag:s29] =	ssyncadd.s32 $0xFFFFFFFF  }
0xbe: {  	_ =	strace $0x90000048  }
0xbf: {  	_ =	sfence  }
0xc0: {  	s30 =	sld [smem:$0x0];
	_ =	sdelay $0x2  }
0xc1: {  	s31 =	sshll.u32 s1, $0xD;
	s1 =	sshrl.u32 s1, $0x2  }
0xc2: {  	s3 =	sand.u32 $0x4000, s31;
	s1 =	sadd.s32 s1, s30  }
0xc3: {  	s0 =	sor.u32 s3, s0;
	s1 =	sshll.u32 s1, $0x11  }
0xc4: {  	s0 =	sor.u32 s1, s0  }
0xc5: {  	s0 =	sadd.s32 $0x8F2B, s0  }
0xc6: {  	[sflag:s0] =	ssyncadd.remote.s32 $0x1  }
0xc7: {  	_ =	sfence.sel $0xFFFF  }
0xc8: {  	[dreg:$0x0] =	wrdreg $0xFFFFFFFF;
	(pc) =	sbr.abs _section_cstart, $3  }
0xc9: {  	[dreg:$0x1] =	wrdreg $0xFFFFFFFF  }
0xca: {  	_ =	task.clear_ibuf [dreg:s10], $0x2FFFF;
	_ =	strace $0x9FFFFFFF  }
0xcb: {  	(tm) =	ssettm $0x7FFFFFFF  }
tec
execute0_lowered:
.L_overlay_start_1:
0x0: {  	(tag) =	ssettag $0x1  }
0x1: {  	s0 =	rddreg [dreg:$0x0]  }
0x2: {  	s1 =	rddreg [dreg:$0x1]  }
0x3: {  	s2 =	rddreg [dreg:$0x2]  }
0x4: {  	s3 =	rddreg [dreg:$0x3]  }
0x5: {  	s9 =	rddreg [dreg:$0x4];
	s5 =	srdreg.scid;
	s4 =	simm.s32 $0x0  }
0x6: {  	s6 =	stileid.u32;
	s12 =	simm.s32 $0x80;
	s17 =	simm.s32 $0x100  }
0x7: {  	s20 =	simm.s32 $0x180;
	s23 =	simm.s32 $0x2;
	s5 =	sand.u32 $0x1, s5  }
0x8: {  	[smem:$0x7FF] =	sst s4;
	s6 =	sshll.u32 s6, $0xA;
	s7 =	sshll.u32 s5, $0x9  }
0x9: {  	s24 =	simm.s32 $0x1;
	_ =	strace $0x80000047;
	s6 =	sor.u32 s7, s6  }
0xa: {  	s26 =	ssub.s32 $0x2, s5;
	s5 =	sadd.s32 $0x3200, s1;
	s11 =	sshrl.u32 s6, $0x3  }
0xb: {  	s10 =	sshrl.u32 s26, $0x1;
	s8 =	sshll.u32 s6, $0x4;
	s0 =	sadd.s32 s0, s11  }
0xc: {  	s10 =	ssub.s32 s26, s10;
	s29 =	sadd.s32 s3, s11;
	[dreg:$0x6] =	wrdreg s0  }
0xd: {  	s6 =	simm.s32 $0x10400;
	s30 =	sadd.s32 s9, s11;
	[dreg:$0x8] =	wrdreg s29  }
0xe: {  	s8 =	sadd.s32 s8, s1;
	s31 =	smax.u32 s10, $0x1;
	[dreg:$0x9] =	wrdreg s30  }
0xf: {  	s26 =	simm.s32 $0x0;
	s28 =	sadd.s32 $0x189C00, s8;
	[dreg:$0xa] =	wrdreg s31  }
0x10: {  	s11 =	simm.s32 $0x3;
	s3 =	simm.s32 $0x10200;
	[dreg:$0x7] =	wrdreg s28  }
.LBB2_1:
0x11: {  	s0 =	rddreg [dreg:$0x6]  }
0x12: {  	[tilespmem:s4], [sflag:$0x3] =	stream.linear.gather [hbm4b:s0+s4], $0x200, $0x38;
	[tilespmem:$0x10600] =	vst v63  }
0x13: {  	_ =	swait.ge [sflag:s11], $0x200  }
0x14: {  	[sflag:s11] =	ssyncset.done $0x0  }
0x15: {  	[sflag:s11] =	ssyncadd.s32 $0xFFFFFE00  }
0x16: {  	[tilespmem:s3], [sflag:$0x1] =	stream.indirect.gather [hbm4b:s2+s12], $0x1, s4, s12, $0xb8;
	[tilespmem:$0x10600] =	vst v63  }
0x17: {  	_ = 	snop  }
0x18: {  	[tilespmem:s6], [sflag:$0x1] =	stream.indirect.gather [hbm4b:s1+s12], $0x1, s4, s12, $0xb8;
	[tilespmem:$0x10600] =	vst v63  }
0x19: {  	s18 =	simm.s32 $0x10280  }
0x1a: {  	[tilespmem:s18], [sflag:$0x1] =	stream.indirect.gather [hbm4b:s2+s12], $0x1, s12, s12, $0xb8;
	[tilespmem:$0x10600] =	vst v63  }
0x1b: {  	s19 =	simm.s32 $0x10480  }
0x1c: {  	[tilespmem:s19], [sflag:$0x1] =	stream.indirect.gather [hbm4b:s1+s12], $0x1, s12, s12, $0xb8;
	[tilespmem:$0x10600] =	vst v63  }
0x1d: {  	s21 =	simm.s32 $0x10300  }
0x1e: {  	[tilespmem:s21], [sflag:$0x1] =	stream.indirect.gather [hbm4b:s2+s12], $0x1, s17, s12, $0xb8;
	[tilespmem:$0x10600] =	vst v63  }
0x1f: {  	s22 =	simm.s32 $0x10500  }
0x20: {  	[tilespmem:s22], [sflag:$0x1] =	stream.indirect.gather [hbm4b:s1+s12], $0x1, s17, s12, $0xb8;
	[tilespmem:$0x10600] =	vst v63  }
0x21: {  	s25 =	simm.s32 $0x10380  }
0x22: {  	[tilespmem:s25], [sflag:$0x1] =	stream.indirect.gather [hbm4b:s2+s12], $0x1, s20, s12, $0xb8;
	[tilespmem:$0x10600] =	vst v63  }
0x23: {  	s31 =	simm.s32 $0x10580  }
0x24: {  	[tilespmem:s31], [sflag:$0x1] =	stream.indirect.gather [hbm4b:s1+s12], $0x1, s20, s12, $0xb8;
	[tilespmem:$0x10600] =	vst v63  }
0x25: {  	v0 =	vld [tilespmem:s4+$0x0];
	_ =	sdelay $0x4  }
0x26: {  	v0 =	vshll.u32 v0, $0x4  }
0x27: {  	(v2sf) =	vpush v0, $0x0  }
0x28: {  	(v2sf) =	vpush v0, $0x1  }
0x29: {  	(v2sf) =	vpush v0, $0x2;
	_ =	sdelay $0x1  }
0x2a: {  	(v2sf) =	vpush v0, $0x4;
	_ =	sdelay $0x1  }
0x2b: {  	(v2sf) =	vpush v0, $0x3  }
0x2c: {  	(v2sf) =	vpush v0, $0x5  }
0x2d: {  	s29 =	simm.s32 $0x2000;
	s28 =	simm.s32 $0x0;
	s30 =	simm.s32 $0x0;
	(v2sf) =	vpush v0, $0x6  }
.LBB2_2:
0x2e: {  	p0 =	sne.s32 s29, $0x3E000  }
0x2f: {  	s25 =	sadd.s32 $0x280, s28;
	s15 =	sadd.s32 $0x780, s28;
	s31 =	smov.u32 s29  }
0x30: {  	s29 =	sadd.s32 $0x2000, s29;
	s19 =	sadd.s32 $0x580, s28;
	s0 =	sadd.s32 $0x800, s28;
	(v2sf) =	vpush v0, $0x7  }
0x31: {  	s22 =	sadd.s32 $0x480, s28;
	s18 =	sadd.s32 $0x600, s28;
	s3 =	sadd.s32 $0x880, s28  }
0x32: {  	s6 =	sadd.s32 $0x200, s28;
	s7 =	sadd.s32 $0x400, s28;
	(v2sf) =	vpush v0, $0x8  }
0x33: {  	s13 =	sadd.s32 $0x500, s28;
	s30 =	sadd.s32 $0x10, s30  }
0x34: {  	s8 =	sadd.s32 $0x300, s28;
	s16 =	sadd.s32 $0x700, s28;
	s21 =	spop (v2sf);
	(v2sf) =	vpush v0, $0x9  }
0x35: {  	s14 =	sand.u32 $0x1FFFFFF0, s21;
	s21 =	sadd.s32 $0x680, s28;
	s9 =	spop (v2sf)  }
0x36: {  	s14 =	sadd.s32 s5, s14;
	s9 =	sand.u32 $0x1FFFFFF0, s9;
	s10 =	spop (v2sf);
	(v2sf) =	vpush v0, $0xA  }
0x37: {  	[tilespmem:s6], [sflag:$0x2] =	stream.linear.gather [hbm4b:s14+s4], $0x80, $0x38;
	[tilespmem:$0x10600] =	vst v63  }
0x38: {  	s6 =	sadd.s32 s5, s9;
	s9 =	sadd.s32 $0x380, s28;
	s14 =	spop (v2sf);
	(v2sf) =	vpush v0, $0xB  }
0x39: {  	[tilespmem:s25], [sflag:$0x2] =	stream.linear.gather [hbm4b:s6+s4], $0x80, $0x38;
	[tilespmem:$0x10600] =	vst v63  }
0x3a: {  	s6 =	sand.u32 $0x1FFFFFF0, s10;
	s10 =	sand.u32 $0x1FFFFFF0, s14;
	s14 =	spop (v2sf);
	(v2sf) =	vpush v0, $0xC  }
0x3b: {  	s6 =	sadd.s32 s5, s6;
	s14 =	sand.u32 $0x1FFFFFF0, s14;
	s25 =	spop (v2sf)  }
0x3c: {  	[tilespmem:s8], [sflag:$0x2] =	stream.linear.gather [hbm4b:s6+s4], $0x80, $0x38;
	(v2sf) =	vpush v0, $0xD;
	[tilespmem:$0x10600] =	vst v63  }
0x3d: {  	s6 =	sadd.s32 s5, s14;
	s8 =	sand.u32 $0x1FFFFFF0, s25;
	s14 =	spop (v2sf)  }
0x3e: {  	[tilespmem:s9], [sflag:$0x2] =	stream.linear.gather [hbm4b:s6+s4], $0x80, $0x38;
	(v2sf) =	vpush v0, $0xE;
	[tilespmem:$0x10600] =	vst v63  }
0x3f: {  	s6 =	sadd.s32 s5, s10;
	s9 =	sand.u32 $0x1FFFFFF0, s14;
	s10 =	spop (v2sf)  }
0x40: {  	[tilespmem:s7], [sflag:$0x2] =	stream.linear.gather [hbm4b:s6+s4], $0x80, $0x38;
	(v2sf) =	vpush v0, $0xF;
	[tilespmem:$0x10600] =	vst v63  }
0x41: {  	s6 =	sadd.s32 s5, s8;
	s7 =	sand.u32 $0x1FFFFFF0, s10;
	s8 =	spop (v2sf)  }
0x42: {  	[tilespmem:s22], [sflag:$0x2] =	stream.linear.gather [hbm4b:s6+s4], $0x80, $0x38;
	[tilespmem:$0x10600] =	vst v63  }
0x43: {  	s6 =	sadd.s32 s5, s9;
	s8 =	sand.u32 $0x1FFFFFF0, s8;
	s9 =	spop (v2sf)  }
0x44: {  	[tilespmem:s13], [sflag:$0x2] =	stream.linear.gather [hbm4b:s6+s4], $0x80, $0x38;
	[tilespmem:$0x10600] =	vst v63  }
0x45: {  	s6 =	sadd.s32 s5, s7;
	s7 =	sand.u32 $0x1FFFFFF0, s9;
	s9 =	spop (v2sf)  }
0x46: {  	[tilespmem:s19], [sflag:$0x2] =	stream.linear.gather [hbm4b:s6+s4], $0x80, $0x38;
	[tilespmem:$0x10600] =	vst v63  }
0x47: {  	s6 =	sadd.s32 s5, s8;
	s8 =	sand.u32 $0x1FFFFFF0, s9;
	s9 =	spop (v2sf)  }
0x48: {  	[tilespmem:s18], [sflag:$0x2] =	stream.linear.gather [hbm4b:s6+s4], $0x80, $0x38;
	[tilespmem:$0x10600] =	vst v63  }
0x49: {  	s6 =	sadd.s32 s5, s7;
	s7 =	sand.u32 $0x1FFFFFF0, s9;
	s9 =	spop (v2sf)  }
0x4a: {  	[tilespmem:s21], [sflag:$0x2] =	stream.linear.gather [hbm4b:s6+s4], $0x80, $0x38;
	[tilespmem:$0x10600] =	vst v63  }
0x4b: {  	s6 =	sadd.s32 s5, s8;
	s8 =	sand.u32 $0x1FFFFFF0, s9;
	s9 =	spop (v2sf)  }
0x4c: {  	[tilespmem:s16], [sflag:$0x2] =	stream.linear.gather [hbm4b:s6+s4], $0x80, $0x38;
	[tilespmem:$0x10600] =	vst v63  }
0x4d: {  	s6 =	sadd.s32 s5, s7;
	s7 =	sand.u32 $0x1FFFFFF0, s9;
	s9 =	spop (v2sf)  }
0x4e: {  	[tilespmem:s15], [sflag:$0x2] =	stream.linear.gather [hbm4b:s6+s4], $0x80, $0x38;
	[tilespmem:$0x10600] =	vst v63  }
0x4f: {  	s6 =	sadd.s32 s5, s8;
	s8 =	sand.u32 $0x1FFFFFF0, s9;
	s9 =	spop (v2sf)  }
0x50: {  	[tilespmem:s0], [sflag:$0x2] =	stream.linear.gather [hbm4b:s6+s4], $0x80, $0x38;
	[tilespmem:$0x10600] =	vst v63  }
0x51: {  	s0 =	sadd.s32 s5, s7;
	s6 =	sand.u32 $0x1FFFFFF0, s9  }
0x52: {  	[tilespmem:s3], [sflag:$0x2] =	stream.linear.gather [hbm4b:s0+s4], $0x80, $0x38;
	[tilespmem:$0x10600] =	vst v63  }
0x53: {  	s0 =	sadd.s32 $0x900, s28;
	s3 =	sadd.s32 s5, s8  }
0x54: {  	[tilespmem:s0], [sflag:$0x2] =	stream.linear.gather [hbm4b:s3+s4], $0x80, $0x38;
	[tilespmem:$0x10600] =	vst v63  }
0x55: {  	s0 =	sadd.s32 $0x980, s28;
	s3 =	sadd.s32 s5, s6  }
0x56: {  	[tilespmem:s0], [sflag:$0x2] =	stream.linear.gather [hbm4b:s3+s4], $0x80, $0x38;
	[tilespmem:$0x10600] =	vst v63  }
0x57: {  	v0 =	vld [tilespmem:s30+$0x0];
	_ =	sdelay $0x4  }
0x58: {  	v0 =	vshll.u32 v0, $0x4  }
0x59: {  	(v2sf) =	vpush v0, $0x0  }
0x5a: {  	(v2sf) =	vpush v0, $0x1  }
0x5b: {  	(v2sf) =	vpush v0, $0x2;
	_ =	sdelay $0x1  }
0x5c: {  	(v2sf) =	vpush v0, $0x4  }
.Ltmp0:
0x5d: {  	(pc) =	sbr.rel @p0 .LBB2_2-.Ltmp0, $3  }
0x5e: {  	(v2sf) =	vpush v0, $0x3  }
0x5f: {  	(v2sf) =	vpush v0, $0x5;
	_ =	sdelay $0x1  }
0x60: {  	s28 =	sshra.s32 s31, $0x2;
	(v2sf) =	vpush v0, $0x6  }
0x61: {  	_ =	sdelay $0x5  }
0x62: {  	s0 =	spop (v2sf)  }
0x63: {  	s3 =	spop (v2sf)  }
0x64: {  	s7 =	spop (v2sf)  }
0x65: {  	s10 =	spop (v2sf);
	(v2sf) =	vpush v0, $0x7  }
0x66: {  	s0 =	sand.u32 $0x1FFFFFF0, s0  }
0x67: {  	s6 =	sadd.s32 $0x200, s28;
	s0 =	sadd.s32 s5, s0  }
0x68: {  	[tilespmem:s6], [sflag:$0x2] =	stream.linear.gather [hbm4b:s0+s4], $0x80, $0x38;
	[tilespmem:$0x10600] =	vst v63  }
0x69: {  	s3 =	sand.u32 $0x1FFFFFF0, s3;
	s13 =	spop (v2sf);
	(v2sf) =	vpush v0, $0x8  }
0x6a: {  	s6 =	sadd.s32 $0x280, s28;
	s3 =	sadd.s32 s5, s3  }
0x6b: {  	[tilespmem:s6], [sflag:$0x2] =	stream.linear.gather [hbm4b:s3+s4], $0x80, $0x38;
	[tilespmem:$0x10600] =	vst v63  }
0x6c: {  	s8 =	sand.u32 $0x1FFFFFF0, s7;
	s18 =	spop (v2sf);
	(v2sf) =	vpush v0, $0x9  }
0x6d: {  	s9 =	sadd.s32 $0x300, s28;
	s0 =	sadd.s32 s5, s8  }
0x6e: {  	[tilespmem:s9], [sflag:$0x2] =	stream.linear.gather [hbm4b:s0+s4], $0x80, $0x38;
	[tilespmem:$0x10600] =	vst v63  }
0x6f: {  	s0 =	sand.u32 $0x1FFFFFF0, s13;
	s21 =	spop (v2sf);
	(v2sf) =	vpush v0, $0xA  }
0x70: {  	s14 =	sadd.s32 $0x380, s28;
	s15 =	sand.u32 $0x1FFFFFF0, s10;
	s0 =	sadd.s32 s5, s0  }
0x71: {  	[tilespmem:s14], [sflag:$0x2] =	stream.linear.gather [hbm4b:s0+s4], $0x80, $0x38;
	[tilespmem:$0x10600] =	vst v63  }
0x72: {  	s16 =	sadd.s32 $0x400, s28;
	s0 =	sadd.s32 s5, s15  }
0x73: {  	[tilespmem:s16], [sflag:$0x2] =	stream.linear.gather [hbm4b:s0+s4], $0x80, $0x38;
	[tilespmem:$0x10600] =	vst v63  }
0x74: {  	s0 =	sand.u32 $0x1FFFFFF0, s18;
	s25 =	spop (v2sf);
	(v2sf) =	vpush v0, $0xB  }
0x75: {  	s19 =	sadd.s32 $0x480, s28;
	s0 =	sadd.s32 s5, s0  }
0x76: {  	[tilespmem:s19], [sflag:$0x2] =	stream.linear.gather [hbm4b:s0+s4], $0x80, $0x38;
	[tilespmem:$0x10600] =	vst v63  }
0x77: {  	s0 =	sand.u32 $0x1FFFFFF0, s21  }
0x78: {  	s22 =	sadd.s32 $0x500, s28;
	s0 =	sadd.s32 s5, s0;
	s30 =	spop (v2sf);
	(v2sf) =	vpush v0, $0xC  }
0x79: {  	[tilespmem:s22], [sflag:$0x2] =	stream.linear.gather [hbm4b:s0+s4], $0x80, $0x38;
	[tilespmem:$0x10600] =	vst v63  }
0x7a: {  	s0 =	sand.u32 $0x1FFFFFF0, s25  }
0x7b: {  	s29 =	sadd.s32 $0x580, s28;
	s0 =	sadd.s32 s5, s0;
	s3 =	spop (v2sf);
	(v2sf) =	vpush v0, $0xD  }
0x7c: {  	[tilespmem:s29], [sflag:$0x2] =	stream.linear.gather [hbm4b:s0+s4], $0x80, $0x38;
	[tilespmem:$0x10600] =	vst v63  }
0x7d: {  	s0 =	sand.u32 $0x1FFFFFF0, s30  }
0x7e: {  	s31 =	sadd.s32 $0x600, s28;
	s0 =	sadd.s32 s5, s0;
	s7 =	spop (v2sf);
	(v2sf) =	vpush v0, $0xE  }
0x7f: {  	[tilespmem:s31], [sflag:$0x2] =	stream.linear.gather [hbm4b:s0+s4], $0x80, $0x38;
	[tilespmem:$0x10600] =	vst v63  }
0x80: {  	s0 =	sand.u32 $0x1FFFFFF0, s3  }
0x81: {  	s6 =	sadd.s32 $0x680, s28;
	s0 =	sadd.s32 s5, s0  }
0x82: {  	[tilespmem:s6], [sflag:$0x2] =	stream.linear.gather [hbm4b:s0+s4], $0x80, $0x38;
	[tilespmem:$0x10600] =	vst v63  }
0x83: {  	s0 =	sand.u32 $0x1FFFFFF0, s7;
	s9 =	spop (v2sf);
	(v2sf) =	vpush v0, $0xF  }
0x84: {  	s8 =	sadd.s32 $0x700, s28;
	s0 =	sadd.s32 s5, s0  }
0x85: {  	[tilespmem:s8], [sflag:$0x2] =	stream.linear.gather [hbm4b:s0+s4], $0x80, $0x38;
	[tilespmem:$0x10600] =	vst v63  }
0x86: {  	s0 =	sand.u32 $0x1FFFFFF0, s9  }
0x87: {  	s10 =	sadd.s32 $0x780, s28;
	s0 =	sadd.s32 s5, s0;
	s13 =	spop (v2sf)  }
0x88: {  	[tilespmem:s10], [sflag:$0x2] =	stream.linear.gather [hbm4b:s0+s4], $0x80, $0x38;
	[tilespmem:$0x10600] =	vst v63  }
0x89: {  	s0 =	sand.u32 $0x1FFFFFF0, s13  }
0x8a: {  	s14 =	sadd.s32 $0x800, s28;
	s15 =	spop (v2sf);
	s0 =	sadd.s32 s5, s0  }
0x8b: {  	[tilespmem:s14], [sflag:$0x2] =	stream.linear.gather [hbm4b:s0+s4], $0x80, $0x38;
	[tilespmem:$0x10600] =	vst v63  }
0x8c: {  	s0 =	sand.u32 $0x1FFFFFF0, s15  }
0x8d: {  	s16 =	sadd.s32 $0x880, s28;
	s18 =	spop (v2sf);
	s0 =	sadd.s32 s5, s0  }
0x8e: {  	[tilespmem:s16], [sflag:$0x2] =	stream.linear.gather [hbm4b:s0+s4], $0x80, $0x38;
	[tilespmem:$0x10600] =	vst v63  }
0x8f: {  	s0 =	sand.u32 $0x1FFFFFF0, s18  }
0x90: {  	s19 =	sadd.s32 $0x900, s28;
	s0 =	sadd.s32 s5, s0  }
0x91: {  	[tilespmem:s19], [sflag:$0x2] =	stream.linear.gather [hbm4b:s0+s4], $0x80, $0x38;
	[tilespmem:$0x10600] =	vst v63  }
0x92: {  	s21 =	spop (v2sf)  }
0x93: {  	s0 =	sand.u32 $0x1FFFFFF0, s21  }
0x94: {  	s22 =	sadd.s32 $0x980, s28;
	s0 =	sadd.s32 s5, s0  }
0x95: {  	[tilespmem:s22], [sflag:$0x2] =	stream.linear.gather [hbm4b:s0+s4], $0x80, $0x38;
	[tilespmem:$0x10600] =	vst v63  }
0x96: {  	_ =	swait.ge [sflag:s23], $0x10000  }
0x97: {  	[sflag:s23] =	ssyncset.done $0x0  }
0x98: {  	[sflag:s23] =	ssyncadd.s32 $0xFFFF0000  }
0x99: {  	_ =	swait.ge [sflag:s24], $0x80  }
0x9a: {  	[sflag:s24] =	ssyncset.done $0x0  }
0x9b: {  	[sflag:s24] =	ssyncadd.s32 $0xFFFFFF80  }
0x9c: {  	_ =	swait.ge [sflag:s24], $0x80  }
0x9d: {  	[sflag:s24] =	ssyncset.done $0x0  }
0x9e: {  	[sflag:s24] =	ssyncadd.s32 $0xFFFFFF80  }
0x9f: {  	_ =	swait.ge [sflag:s24], $0x80  }
0xa0: {  	[sflag:s24] =	ssyncset.done $0x0  }
0xa1: {  	[sflag:s24] =	ssyncadd.s32 $0xFFFFFF80  }
0xa2: {  	_ =	swait.ge [sflag:s24], $0x80  }
0xa3: {  	[sflag:s24] =	ssyncset.done $0x0  }
0xa4: {  	[sflag:s24] =	ssyncadd.s32 $0xFFFFFF80  }
0xa5: {  	_ =	swait.ge [sflag:s24], $0x80  }
0xa6: {  	[sflag:s24] =	ssyncset.done $0x0  }
0xa7: {  	[sflag:s24] =	ssyncadd.s32 $0xFFFFFF80  }
0xa8: {  	_ =	swait.ge [sflag:s24], $0x80  }
0xa9: {  	[sflag:s24] =	ssyncset.done $0x0  }
0xaa: {  	[sflag:s24] =	ssyncadd.s32 $0xFFFFFF80  }
0xab: {  	_ =	swait.ge [sflag:s24], $0x80  }
0xac: {  	[sflag:s24] =	ssyncset.done $0x0  }
0xad: {  	[sflag:s24] =	ssyncadd.s32 $0xFFFFFF80  }
0xae: {  	_ =	swait.ge [sflag:s24], $0x80  }
0xaf: {  	[sflag:s24] =	ssyncset.done $0x0  }
0xb0: {  	s28 =	simm.s32 $0x200;
	s25 =	rddreg [dreg:$0x7];
	[sflag:s24] =	ssyncadd.s32 $0xFFFFFF80  }
0xb1: {  	[hbm4b:s25+s4] =	stream.linear.scatter [tilespmem:s28], [sflag:$0x3], $0x10000, $0x38;
	[tilespmem:$0x10600] =	vst v63  }
0xb2: {  	_ =	swait.ge [sflag:s11], $0x10000  }
0xb3: {  	[sflag:s11] =	ssyncset.done $0x0  }
0xb4: {  	s3 =	simm.s32 $0x10200;
	s29 =	rddreg [dreg:$0x8];
	[sflag:s11] =	ssyncadd.s32 $0xFFFF0000  }
0xb5: {  	[hbm4b:s29+s4] =	stream.linear.scatter [tilespmem:s3], [sflag:$0x3], $0x200, $0x38;
	[tilespmem:$0x10600] =	vst v63  }
0xb6: {  	_ =	swait.ge [sflag:s11], $0x200  }
0xb7: {  	[sflag:s11] =	ssyncset.done $0x0  }
0xb8: {  	s6 =	simm.s32 $0x10400;
	s30 =	rddreg [dreg:$0x9];
	[sflag:s11] =	ssyncadd.s32 $0xFFFFFE00  }
0xb9: {  	[hbm4b:s30+s4] =	stream.linear.scatter [tilespmem:s6], [sflag:$0x3], $0x200, $0x38;
	[tilespmem:$0x10600] =	vst v63  }
0xba: {  	_ =	swait.ge [sflag:s11], $0x200  }
0xbb: {  	s26 =	sadd.s32 $0x1, s26;
	s31 =	rddreg [dreg:$0xa]  }
0xbc: {  	p0 =	sne.s32 s26, s31  }
.Ltmp1:
0xbd: {  	_ = 	snop;
	(pc) =	sbr.rel @p0 .LBB2_1-.Ltmp1, $3  }
0xbe: {  	_ =	sdelay $0x1  }
0xbf: {  	[sflag:s11] =	ssyncset.done $0x0  }
0xc0: {  	[sflag:s11] =	ssyncadd.s32 $0xFFFFFE00  }
0xc1: {  	_ =	sfence.sel $0x180000  }
0xc2: {  	[bflag:$0x0] =	sbarrier.arrive $0xFFFF  }
0xc3: {  	_ =	strace $0x90000047  }
0xc4: {  	s0 =	stileid.u32;
	[bflag:$0x2] =	sbarrier.arrive $0xFFFF  }
0xc5: {  	p0 =	sne.s32 s0, $0x0;
	s0 =	rddreg [dreg:$0x5]  }
0xc6: {  	s0 =	sadd.s32 @!p0 $0x100000, s0  }
0xc7: {  	[sflag:s0] =	ssyncadd.tile.s32 @!p0 $0x1;
	_ =	shalt  }
.Lfunc_end2:
_tile_overlayer_lowered:
.L_overlay_start_2:
0xc8: {  	(tag) =	ssettag $0x2  }
0xc9: {  	s0 =	rddreg [dreg:$0x0];
	s2 =	stileid.u32  }
0xca: {  	s1 =	rddreg [dreg:$0x1];
	p0 =	sne.s32 s2, $0x0  }
0xcb: {  	s3 =	rddreg [dreg:$0x2];
	[bflag:$0x3] =	sbarrier.arrive $0xFFFF;
	s2 =	simm.s32 @!p0 $0x1C03  }
0xcc: {  	[timem:s3], [sflag:s2] =	dma.local @!p0 [hbm:s0], s1  }
0xcd: {  	s0 =	simm.s32 @!p0 $0x3  }
0xce: {  	_ =	swait.ge @!p0 [sflag:s0], s1  }
0xcf: {  	s1 =	ssub.s32 @!p0 $0x0, s1;
	[sflag:s0] =	ssyncset.done @!p0 $0x0  }
0xd0: {  	[sflag:s0] =	ssyncadd.s32 @!p0 s1  }
0xd1: {  	[bflag:$0x3] =	sbarrier.arrive $0xFFFF  }
0xd2: {  	_ =	shalt  }

</sc_bundles>
